<compile_context>
chip_gen: v7x
topology: tpu7x:2x2x1
jax: 0.10.2.dev20260603
libtpu: 0.0.44.dev20260713+nightly
codegen_flags: <defaults>
</compile_context>

<pallas_src>
import functools

import jax
import jax.numpy as jnp
from jax import lax
from jax.experimental import pallas as pl
from jax.experimental.pallas import tpu as pltpu
from jax.experimental.pallas import tpu_sc as plsc

N_NODES = 10000
N_PAD = 10240
TRASH = 10016
N_EDGES = 320000
D = 128
NC = 2
NS = 16
CHUNK = 128
NCHUNK_TOTAL = 2560
E_PAD = NCHUNK_TOTAL * CHUNK
NCHUNK = NCHUNK_TOTAL // (NC * NS)
IBLK = 4
SUPER = NCHUNK // (2 * IBLK)
R_BAND = N_PAD // NS



def _layer_body(p0_ref, p1_ref, x_ref, b_ref, w_ref, out_ref):
    agg = p0_ref[0] + p1_ref[0] - x_ref[...]
    out_ref[...] = jnp.tanh(
        jnp.dot(agg, w_ref[...], preferred_element_type=jnp.float32)
        + b_ref[...])


def _layer(p, x, b, w, blk=2000):
    return pl.pallas_call(
        _layer_body,
        grid=(N_NODES // blk,),
        in_specs=[pl.BlockSpec((1, blk, D), lambda i: (0, i, 0)),
                  pl.BlockSpec((1, blk, D), lambda i: (1, i, 0)),
                  pl.BlockSpec((blk, D), lambda i: (i, 0)),
                  pl.BlockSpec((1, D), lambda i: (0, 0)),
                  pl.BlockSpec((D, D), lambda i: (0, 0))],
        out_specs=pl.BlockSpec((blk, D), lambda i: (i, 0)),
        out_shape=jax.ShapeDtypeStruct((N_PAD, D), jnp.float32),
    )(p, p, x, b.reshape(1, D), w)


def _final_body(q0_ref, q1_ref, h1_ref, b_ref, w_ref, wo_ref, bo_ref,
                out_ref, acc):
    i = pl.program_id(0)
    agg = q0_ref[0] + q1_ref[0] - h1_ref[...]
    h2 = jnp.tanh(
        jnp.dot(agg, w_ref[...], preferred_element_type=jnp.float32)
        + b_ref[...])
    node = jnp.dot(h2, wo_ref[...], preferred_element_type=jnp.float32)
    s = jnp.sum(node, axis=0, keepdims=True)

    @pl.when(i == 0)
    def _():
        acc[...] = jnp.broadcast_to(s, acc.shape)

    @pl.when(i > 0)
    def _():
        acc[...] += jnp.broadcast_to(s, acc.shape)

    @pl.when(i == pl.num_programs(0) - 1)
    def _():
        out_ref[...] = jnp.tanh(acc[...][0:1, :] * (1.0 / N_NODES)
                                + bo_ref[...])


def _final_readout(q, h1, b, w, wo_pad, bo_pad, blk=2000):
    one = pl.BlockSpec((1, D), lambda i: (0, 0))
    full = pl.BlockSpec((D, D), lambda i: (0, 0))
    return pl.pallas_call(
        _final_body,
        grid=(N_NODES // blk,),
        in_specs=[pl.BlockSpec((1, blk, D), lambda i: (0, i, 0)),
                  pl.BlockSpec((1, blk, D), lambda i: (1, i, 0)),
                  pl.BlockSpec((blk, D), lambda i: (i, 0)),
                  one, full, full, one],
        out_specs=one,
        out_shape=jax.ShapeDtypeStruct((1, D), jnp.float32),
        scratch_shapes=[pltpu.VMEM((8, D), jnp.float32)],
    )(q, q, h1, b.reshape(1, D), w, wo_pad, bo_pad)



def _sc_agg(y, ei):
    mesh = plsc.VectorSubcoreMesh(core_axis_name="c", subcore_axis_name="s")

    @functools.partial(
        pl.kernel,
        out_type=jax.ShapeDtypeStruct((NC, N_PAD, D), jnp.float32),
        mesh=mesh,
        scratch_types=[
            pltpu.VMEM((IBLK, 2, CHUNK), jnp.int32),
            pltpu.VMEM((IBLK, 2, CHUNK), jnp.int32),
            pltpu.VMEM((CHUNK, D), jnp.float32),
            pltpu.VMEM((CHUNK, D), jnp.float32),
            pltpu.VMEM_SHARED((N_PAD, D), jnp.float32),
            pltpu.SemaphoreType.DMA,
            pltpu.SemaphoreType.DMA,
            pltpu.SemaphoreType.DMA,
            pltpu.SemaphoreType.DMA,
        ],
    )
    def k(y_hbm, ei_hbm, p_hbm, ib0, ib1, buf_a, buf_b, acc_sh,
          sem_i0, sem_i1, sem_a, sem_b):
        c = lax.axis_index("c")
        s = lax.axis_index("s")
        r0 = s * R_BAND
        base = (c * NS + s) * NCHUNK

        pltpu.sync_copy(y_hbm.at[pl.ds(r0, R_BAND)],
                        acc_sh.at[pl.ds(r0, R_BAND)])
        plsc.subcore_barrier()

        pltpu.sync_copy(ei_hbm.at[pl.ds(base, IBLK)], ib0)
        pltpu.async_copy(ei_hbm.at[pl.ds(base + IBLK, IBLK)], ib1, sem_i1)
        pltpu.async_copy(y_hbm.at[ib0.at[0, 0]], buf_a, sem_a)

        def body(m, carry):
            blk0 = base + 2 * m * IBLK

            for p in range(2 * IBLK):
                ib, prow = (ib0, p) if p < IBLK else (ib1, p - IBLK)
                rbuf, rsem = (buf_a, sem_a) if p % 2 == 0 else (buf_b, sem_b)
                nbuf, nsem = (buf_b, sem_b) if p % 2 == 0 else (buf_a, sem_a)

                if p == 0:
                    @pl.when(m > 0)
                    def _():
                        pltpu.async_copy(
                            ei_hbm.at[pl.ds(blk0 + IBLK, IBLK)], ib1, sem_i1)

                pltpu.make_async_copy(y_hbm.at[ib.at[prow, 0]],
                                      rbuf, rsem).wait()

                if p == IBLK:
                    @pl.when(m < SUPER - 1)
                    def _():
                        pltpu.async_copy(
                            ei_hbm.at[pl.ds(blk0 + 2 * IBLK, IBLK)],
                            ib0, sem_i0)

                if p < IBLK - 1:
                    pltpu.async_copy(y_hbm.at[ib0.at[prow + 1, 0]],
                                     nbuf, nsem)
                elif p == IBLK - 1:
                    pltpu.make_async_copy(
                        ei_hbm.at[pl.ds(blk0 + IBLK, IBLK)],
                        ib1, sem_i1).wait()
                    pltpu.async_copy(y_hbm.at[ib1.at[0, 0]], nbuf, nsem)
                elif p < 2 * IBLK - 1:
                    pltpu.async_copy(y_hbm.at[ib1.at[prow + 1, 0]],
                                     nbuf, nsem)
                else:
                    @pl.when(m < SUPER - 1)
                    def _():
                        pltpu.make_async_copy(
                            ei_hbm.at[pl.ds(blk0 + 2 * IBLK, IBLK)],
                            ib0, sem_i0).wait()
                        pltpu.async_copy(y_hbm.at[ib0.at[0, 0]], nbuf, nsem)

                pltpu.sync_copy(rbuf, acc_sh.at[ib.at[prow, 1]], add=True)
            return carry

        lax.fori_loop(0, SUPER, body, 0)
        plsc.subcore_barrier()
        pltpu.sync_copy(acc_sh.at[pl.ds(r0, R_BAND)],
                        p_hbm.at[c, pl.ds(r0, R_BAND)])

    return k(y, ei)



def kernel(x, edge_index, pos, W1, b1, W2, b2, Wout, bout):
    del pos
    ei = edge_index.astype(jnp.int32)
    fill = N_NODES + jnp.arange(E_PAD - N_EDGES, dtype=jnp.int32) % (
        N_PAD - N_NODES)
    ei = jnp.concatenate([ei, jnp.stack([fill, fill])], axis=1)
    ei3 = ei.reshape(2, NCHUNK_TOTAL, CHUNK).transpose(1, 0, 2)

    x_pad = jnp.pad(x, ((0, N_PAD - N_NODES), (0, 0)))
    p = _sc_agg(x_pad, ei3)
    h1 = _layer(p, x_pad, b1, W1)
    q = _sc_agg(h1, ei3)

    wo_pad = jnp.zeros((D, D), jnp.float32).at[:, :2].set(Wout)
    bo_pad = jnp.zeros((1, D), jnp.float32).at[0, :2].set(bout)
    out_pad = _final_readout(q, h1, b2, W2, wo_pad, bo_pad)
    return out_pad[0, :2]

# --- scband reference (transcript-rebuilt; emitter-appended) ---
"""Pipeline reference for scband-graph-net-27745488732296 (READ-ONLY COPY).

The authoritative reference and input builder live on the scoring server;
editing this copy changes nothing except your own understanding.
"""

import jax, jax.numpy as jnp
import numpy as np

N_NODES = 10000
N_EDGES = 320000
D_FEAT = 128
OUT_CLASSES = 2


def setup_inputs(seed: int = 0) -> dict:
    key = jax.random.key(seed)
    k_x, k_ei, k_w1, k_b1, k_w2, k_b2, k_wo, k_bo = jax.random.split(key, 8)
    x = jax.random.normal(k_x, (N_NODES, D_FEAT), dtype=jnp.float32)
    edge_index = jax.random.randint(k_ei, (2, N_EDGES), 0, N_NODES, dtype=jnp.int64) if jax.config.jax_enable_x64 else jax.random.randint(k_ei, (2, N_EDGES), 0, N_NODES, dtype=jnp.int32)
    pos = 0
    s1 = 1.0 / np.sqrt(D_FEAT)
    W1 = jax.random.uniform(k_w1, (D_FEAT, D_FEAT), dtype=jnp.float32, minval=-s1, maxval=s1)
    b1 = jax.random.uniform(k_b1, (D_FEAT,), dtype=jnp.float32, minval=-s1, maxval=s1)
    W2 = jax.random.uniform(k_w2, (D_FEAT, D_FEAT), dtype=jnp.float32, minval=-s1, maxval=s1)
    b2 = jax.random.uniform(k_b2, (D_FEAT,), dtype=jnp.float32, minval=-s1, maxval=s1)
    Wout = jax.random.uniform(k_wo, (D_FEAT, OUT_CLASSES), dtype=jnp.float32, minval=-s1, maxval=s1)
    bout = jax.random.uniform(k_bo, (OUT_CLASSES,), dtype=jnp.float32, minval=-s1, maxval=s1)
    return {"x": x, "edge_index": edge_index, "pos": pos, "W1": W1, "b1": b1, "W2": W2, "b2": b2, "Wout": Wout, "bout": bout}


def reference(x, edge_index, pos, W1, b1, W2, b2, Wout, bout):
    # GraphNet forward: stacked GraphConvLayers (message passing via
    # scatter-add over edges) with tanh activation (default af), followed
    # by a GraphResizeLayer mapping node features -> out_classes with a
    # graph-level readout, then tanh output activation (default out_af).
    src = edge_index[0]
    dst = edge_index[1]
    # GraphConvLayer 1: aggregate neighbor features (gather + scatter-add)
    agg1 = jnp.zeros_like(x).at[dst].add(x[src])
    h1 = jnp.tanh((agg1 + x) @ W1 + b1)
    # GraphConvLayer 2
    agg2 = jnp.zeros_like(h1).at[dst].add(h1[src])
    h2 = jnp.tanh((agg2 + h1) @ W2 + b2)
    # GraphResizeLayer: node-wise projection + mean readout over the graph
    node_out = h2 @ Wout + bout
    out = jnp.tanh(jnp.mean(node_out, axis=0))
    return out

if __name__ == "__main__":
    import jax
    _d = setup_inputs()
    print(jax.jit(kernel)(*tuple(_d.values())))

</pallas_src>

<mosaic_0001>
#map = affine_map<(d0, d1) -> (0, 0)>
#map1 = affine_map<(d0, d1) -> (0, 0, 0)>
module attributes {stable_mosaic.version = 14 : i64} {
  func.func @k(%arg0: i32, %arg1: i32, %arg2: memref<10240x128xf32, #tpu.memory_space<hbm>>, %arg3: memref<2560x2x128xi32, #tpu.memory_space<hbm>>, %arg4: memref<2x10240x128xf32, #tpu.memory_space<hbm>>, %arg5: memref<4x2x128xi32, #tpu.memory_space<vmem>>, %arg6: memref<4x2x128xi32, #tpu.memory_space<vmem>>, %arg7: memref<128x128xf32, #tpu.memory_space<vmem>>, %arg8: memref<128x128xf32, #tpu.memory_space<vmem>>, %arg9: memref<10240x128xf32, #tpu.memory_space<vmem_shared>>, %arg10: memref<!tpu.dma_semaphore, #tpu.memory_space<semaphore_mem>>, %arg11: memref<!tpu.dma_semaphore, #tpu.memory_space<semaphore_mem>>, %arg12: memref<!tpu.dma_semaphore, #tpu.memory_space<semaphore_mem>>, %arg13: memref<!tpu.dma_semaphore, #tpu.memory_space<semaphore_mem>>) attributes {dimension_semantics = [#tpu.dimension_semantics<core_parallel>, #tpu.dimension_semantics<subcore_parallel>], iteration_bounds = array<i64: 2, 16>, scalar_prefetch = 0 : i64, scratch_operands = 9 : i64, tpu.core_type = #tpu.core_type<sc_vector_subcore>, window_params = [{transform_indices = #map}, {transform_indices = #map1}, {transform_indices = #map1}]} {
    %mul3A = arith.constant 640 : i32
    %mul3A_0 = arith.muli %arg1, %mul3A : i32
    %mul3A_1 = arith.constant 16 : i32
    %mul3A_2 = arith.muli %arg0, %mul3A_1 : i32
    %add3A = arith.addi %mul3A_2, %arg1 : i32
    %mul3A_3 = arith.constant 80 : i32
    %mul3A_4 = arith.muli %add3A, %mul3A_3 : i32
    "tpu.region"() ({
      %run_scoped3A = tpu.sem_alloc : memref<!tpu.dma_semaphore, #tpu.memory_space<semaphore_mem>>
      %dma_start3A_26 = arith.constant 0 : i32
      %dma_start3A_27 = tpu.memref_slice %arg9[%mul3A_0, %dma_start3A_26] : memref<10240x128xf32, #tpu.memory_space<vmem_shared>> -> memref<640x128xf32, #tpu.memory_space<vmem_shared>>
      %dma_start3A_28 = arith.constant 0 : i32
      %dma_start3A_29 = tpu.memref_slice %arg2[%mul3A_0, %dma_start3A_28] : memref<10240x128xf32, #tpu.memory_space<hbm>> -> memref<640x128xf32, #tpu.memory_space<hbm>>
      tpu.enqueue_dma source(%dma_start3A_29 : memref<640x128xf32, #tpu.memory_space<hbm>>) target(%dma_start3A_27 : memref<640x128xf32, #tpu.memory_space<vmem_shared>>) target_semaphore(%run_scoped3A : memref<!tpu.dma_semaphore, #tpu.memory_space<semaphore_mem>>)
      %dma_wait3A = arith.constant 0 : i32
      %dma_wait3A_30 = tpu.memref_slice %arg9[%mul3A_0, %dma_wait3A] : memref<10240x128xf32, #tpu.memory_space<vmem_shared>> -> memref<640x128xf32, #tpu.memory_space<vmem_shared>>
      %dma_wait3A_31 = arith.constant 0 : i32
      %dma_wait3A_32 = tpu.memref_slice %arg2[%mul3A_0, %dma_wait3A_31] : memref<10240x128xf32, #tpu.memory_space<hbm>> -> memref<640x128xf32, #tpu.memory_space<hbm>>
      tpu.wait_dma2 semaphore(%run_scoped3A : memref<!tpu.dma_semaphore, #tpu.memory_space<semaphore_mem>>) src(%dma_wait3A_32 : memref<640x128xf32, #tpu.memory_space<hbm>>) dst(%dma_wait3A_30 : memref<640x128xf32, #tpu.memory_space<vmem_shared>>)
      tpu.yield
    }) : () -> ()
    %barrier3A = arith.constant 0 : index
    tpu.barrier barrier_id(%barrier3A)
    "tpu.region"() ({
      %run_scoped3A = tpu.sem_alloc : memref<!tpu.dma_semaphore, #tpu.memory_space<semaphore_mem>>
      %dma_start3A_26 = arith.constant 0 : i32
      %dma_start3A_27 = arith.constant 0 : i32
      %dma_start3A_28 = tpu.memref_slice %arg3[%mul3A_4, %dma_start3A_26, %dma_start3A_27] : memref<2560x2x128xi32, #tpu.memory_space<hbm>> -> memref<4x2x128xi32, #tpu.memory_space<hbm>>
      %dma_start3A_29 = arith.constant 0 : i32
      %dma_start3A_30 = arith.constant 0 : i32
      %dma_start3A_31 = tpu.memref_slice %arg3[%mul3A_4, %dma_start3A_29, %dma_start3A_30] : memref<2560x2x128xi32, #tpu.memory_space<hbm>> -> memref<4x2x128xi32, #tpu.memory_space<hbm>>
      tpu.enqueue_dma source(%dma_start3A_31 : memref<4x2x128xi32, #tpu.memory_space<hbm>>) target(%arg5 : memref<4x2x128xi32, #tpu.memory_space<vmem>>) target_semaphore(%run_scoped3A : memref<!tpu.dma_semaphore, #tpu.memory_space<semaphore_mem>>)
      %dma_wait3A = arith.constant 0 : i32
      %dma_wait3A_32 = arith.constant 0 : i32
      %dma_wait3A_33 = tpu.memref_slice %arg3[%mul3A_4, %dma_wait3A, %dma_wait3A_32] : memref<2560x2x128xi32, #tpu.memory_space<hbm>> -> memref<4x2x128xi32, #tpu.memory_space<hbm>>
      %dma_wait3A_34 = arith.constant 0 : i32
      %dma_wait3A_35 = arith.constant 0 : i32
      %dma_wait3A_36 = tpu.memref_slice %arg3[%mul3A_4, %dma_wait3A_34, %dma_wait3A_35] : memref<2560x2x128xi32, #tpu.memory_space<hbm>> -> memref<4x2x128xi32, #tpu.memory_space<hbm>>
      tpu.wait_dma2 semaphore(%run_scoped3A : memref<!tpu.dma_semaphore, #tpu.memory_space<semaphore_mem>>) src(%dma_wait3A_36 : memref<4x2x128xi32, #tpu.memory_space<hbm>>) dst(%arg5 : memref<4x2x128xi32, #tpu.memory_space<vmem>>)
      tpu.yield
    }) : () -> ()
    %add3A_5 = arith.constant 4 : i32
    %add3A_6 = arith.addi %mul3A_4, %add3A_5 : i32
    %dma_start3A = arith.constant 0 : i32
    %dma_start3A_7 = arith.constant 0 : i32
    %dma_start3A_8 = tpu.memref_slice %arg3[%add3A_6, %dma_start3A, %dma_start3A_7] : memref<2560x2x128xi32, #tpu.memory_space<hbm>> -> memref<4x2x128xi32, #tpu.memory_space<hbm>>
    %dma_start3A_9 = arith.constant 0 : i32
    %dma_start3A_10 = arith.constant 0 : i32
    %dma_start3A_11 = tpu.memref_slice %arg3[%add3A_6, %dma_start3A_9, %dma_start3A_10] : memref<2560x2x128xi32, #tpu.memory_space<hbm>> -> memref<4x2x128xi32, #tpu.memory_space<hbm>>
    tpu.enqueue_dma source(%dma_start3A_11 : memref<4x2x128xi32, #tpu.memory_space<hbm>>) target(%arg6 : memref<4x2x128xi32, #tpu.memory_space<vmem>>) target_semaphore(%arg11 : memref<!tpu.dma_semaphore, #tpu.memory_space<semaphore_mem>>)
    %dma_start3A_12 = arith.constant 0 : i32
    %dma_start3A_13 = arith.constant 0 : i32
    %dma_start3A_14 = arith.constant 0 : i32
    %dma_start3A_15 = tpu.memref_slice %arg5[%dma_start3A_12, %dma_start3A_13, %dma_start3A_14] : memref<4x2x128xi32, #tpu.memory_space<vmem>> -> memref<1x1x128xi32, #tpu.memory_space<vmem>>
    %dma_start3A_16 = tpu.memref_squeeze %dma_start3A_15 : memref<1x1x128xi32, #tpu.memory_space<vmem>> -> memref<128xi32, #tpu.memory_space<vmem>>
    %dma_start3A_17 = arith.constant 0 : i32
    %dma_start3A_18 = arith.constant 0 : i32
    %dma_start3A_19 = tpu.memref_slice %arg2[%dma_start3A_17, %dma_start3A_18] : memref<10240x128xf32, #tpu.memory_space<hbm>> -> memref<10240x128xf32, #tpu.memory_space<hbm>>
    tpu.enqueue_indirect_dma source(%dma_start3A_19 : memref<10240x128xf32, #tpu.memory_space<hbm>>) target(%arg7 : memref<128x128xf32, #tpu.memory_space<vmem>>) offsets(%dma_start3A_16 : memref<128xi32, #tpu.memory_space<vmem>>) semaphore(%arg12 : memref<!tpu.dma_semaphore, #tpu.memory_space<semaphore_mem>>)
    %scan3A = arith.constant 0 : i32
    %scan3A_20 = arith.constant 0 : i32
    %scan3A_21 = arith.constant 10 : i32
    %scan3A_22 = arith.addi %scan3A_20, %scan3A_21 : i32
    %scan3A_23 = arith.constant 1 : i32
    scf.for %scan3A_26 = %scan3A_20 to %scan3A_22 step %scan3A_23  : i32 {
      %mul3A_27 = arith.constant 2 : i32
      %mul3A_28 = arith.muli %mul3A_27, %scan3A_26 : i32
      %mul3A_29 = arith.constant 4 : i32
      %mul3A_30 = arith.muli %mul3A_28, %mul3A_29 : i32
      %add3A_31 = arith.addi %mul3A_4, %mul3A_30 : i32
      %gt3A = arith.constant 0 : i32
      %gt3A_32 = arith.cmpi sgt, %scan3A_26, %gt3A : i32
      %convert_element_type3A = arith.extui %gt3A_32 : i1 to i32
      %cond3A = arith.constant 0 : i32
      %cond3A_33 = arith.cmpi ne, %convert_element_type3A, %cond3A : i32
      scf.if %cond3A_33 {
        %add3A_185 = arith.constant 4 : i32
        %add3A_186 = arith.addi %add3A_31, %add3A_185 : i32
        %dma_start3A_187 = arith.constant 0 : i32
        %dma_start3A_188 = arith.constant 0 : i32
        %dma_start3A_189 = tpu.memref_slice %arg3[%add3A_186, %dma_start3A_187, %dma_start3A_188] : memref<2560x2x128xi32, #tpu.memory_space<hbm>> -> memref<4x2x128xi32, #tpu.memory_space<hbm>>
        %dma_start3A_190 = arith.constant 0 : i32
        %dma_start3A_191 = arith.constant 0 : i32
        %dma_start3A_192 = tpu.memref_slice %arg3[%add3A_186, %dma_start3A_190, %dma_start3A_191] : memref<2560x2x128xi32, #tpu.memory_space<hbm>> -> memref<4x2x128xi32, #tpu.memory_space<hbm>>
        tpu.enqueue_dma source(%dma_start3A_192 : memref<4x2x128xi32, #tpu.memory_space<hbm>>) target(%arg6 : memref<4x2x128xi32, #tpu.memory_space<vmem>>) target_semaphore(%arg11 : memref<!tpu.dma_semaphore, #tpu.memory_space<semaphore_mem>>)
      } else {
      }
      %dma_wait3A = arith.constant 0 : i32
      %dma_wait3A_34 = arith.constant 0 : i32
      %dma_wait3A_35 = arith.constant 0 : i32
      %dma_wait3A_36 = tpu.memref_slice %arg5[%dma_wait3A, %dma_wait3A_34, %dma_wait3A_35] : memref<4x2x128xi32, #tpu.memory_space<vmem>> -> memref<1x1x128xi32, #tpu.memory_space<vmem>>
      %dma_wait3A_37 = tpu.memref_squeeze %dma_wait3A_36 : memref<1x1x128xi32, #tpu.memory_space<vmem>> -> memref<128xi32, #tpu.memory_space<vmem>>
      %dma_wait3A_38 = arith.constant 0 : i32
      %dma_wait3A_39 = arith.constant 0 : i32
      %dma_wait3A_40 = tpu.memref_slice %arg2[%dma_wait3A_38, %dma_wait3A_39] : memref<10240x128xf32, #tpu.memory_space<hbm>> -> memref<10240x128xf32, #tpu.memory_space<hbm>>
      tpu.wait_indirect_dma semaphore(%arg12 : memref<!tpu.dma_semaphore, #tpu.memory_space<semaphore_mem>>) src(%dma_wait3A_40 : memref<10240x128xf32, #tpu.memory_space<hbm>>) dst(%arg7 : memref<128x128xf32, #tpu.memory_space<vmem>>)
      %dma_start3A_41 = arith.constant 1 : i32
      %dma_start3A_42 = arith.constant 0 : i32
      %dma_start3A_43 = arith.constant 0 : i32
      %dma_start3A_44 = tpu.memref_slice %arg5[%dma_start3A_41, %dma_start3A_42, %dma_start3A_43] : memref<4x2x128xi32, #tpu.memory_space<vmem>> -> memref<1x1x128xi32, #tpu.memory_space<vmem>>
      %dma_start3A_45 = tpu.memref_squeeze %dma_start3A_44 : memref<1x1x128xi32, #tpu.memory_space<vmem>> -> memref<128xi32, #tpu.memory_space<vmem>>
      %dma_start3A_46 = arith.constant 0 : i32
      %dma_start3A_47 = arith.constant 0 : i32
      %dma_start3A_48 = tpu.memref_slice %arg2[%dma_start3A_46, %dma_start3A_47] : memref<10240x128xf32, #tpu.memory_space<hbm>> -> memref<10240x128xf32, #tpu.memory_space<hbm>>
      tpu.enqueue_indirect_dma source(%dma_start3A_48 : memref<10240x128xf32, #tpu.memory_space<hbm>>) target(%arg8 : memref<128x128xf32, #tpu.memory_space<vmem>>) offsets(%dma_start3A_45 : memref<128xi32, #tpu.memory_space<vmem>>) semaphore(%arg13 : memref<!tpu.dma_semaphore, #tpu.memory_space<semaphore_mem>>)
      %run_scoped3A = arith.constant 0 : i32
      %run_scoped3A_49 = arith.constant 1 : i32
      "tpu.region"() ({
        %run_scoped3A_185 = tpu.sem_alloc : memref<!tpu.dma_semaphore, #tpu.memory_space<semaphore_mem>>
        %dma_start3A_186 = arith.constant 0 : i32
        %dma_start3A_187 = tpu.memref_slice %arg5[%run_scoped3A, %run_scoped3A_49, %dma_start3A_186] : memref<4x2x128xi32, #tpu.memory_space<vmem>> -> memref<1x1x128xi32, #tpu.memory_space<vmem>>
        %dma_start3A_188 = tpu.memref_squeeze %dma_start3A_187 : memref<1x1x128xi32, #tpu.memory_space<vmem>> -> memref<128xi32, #tpu.memory_space<vmem>>
        %dma_start3A_189 = arith.constant 0 : i32
        %dma_start3A_190 = arith.constant 0 : i32
        %dma_start3A_191 = tpu.memref_slice %arg9[%dma_start3A_189, %dma_start3A_190] : memref<10240x128xf32, #tpu.memory_space<vmem_shared>> -> memref<10240x128xf32, #tpu.memory_space<vmem_shared>>
        tpu.enqueue_indirect_dma source(%arg7 : memref<128x128xf32, #tpu.memory_space<vmem>>) target(%dma_start3A_191 : memref<10240x128xf32, #tpu.memory_space<vmem_shared>>) offsets(%dma_start3A_188 : memref<128xi32, #tpu.memory_space<vmem>>) semaphore(%run_scoped3A_185 : memref<!tpu.dma_semaphore, #tpu.memory_space<semaphore_mem>>) {add = true}
        %dma_wait3A_192 = arith.constant 0 : i32
        %dma_wait3A_193 = tpu.memref_slice %arg5[%run_scoped3A, %run_scoped3A_49, %dma_wait3A_192] : memref<4x2x128xi32, #tpu.memory_space<vmem>> -> memref<1x1x128xi32, #tpu.memory_space<vmem>>
        %dma_wait3A_194 = tpu.memref_squeeze %dma_wait3A_193 : memref<1x1x128xi32, #tpu.memory_space<vmem>> -> memref<128xi32, #tpu.memory_space<vmem>>
        %dma_wait3A_195 = arith.constant 0 : i32
        %dma_wait3A_196 = arith.constant 0 : i32
        %dma_wait3A_197 = tpu.memref_slice %arg9[%dma_wait3A_195, %dma_wait3A_196] : memref<10240x128xf32, #tpu.memory_space<vmem_shared>> -> memref<10240x128xf32, #tpu.memory_space<vmem_shared>>
        tpu.wait_indirect_dma semaphore(%run_scoped3A_185 : memref<!tpu.dma_semaphore, #tpu.memory_space<semaphore_mem>>) src(%arg7 : memref<128x128xf32, #tpu.memory_space<vmem>>) dst(%dma_wait3A_197 : memref<10240x128xf32, #tpu.memory_space<vmem_shared>>)
        tpu.yield
      }) : () -> ()
      %dma_wait3A_50 = arith.constant 1 : i32
      %dma_wait3A_51 = arith.constant 0 : i32
      %dma_wait3A_52 = arith.constant 0 : i32
      %dma_wait3A_53 = tpu.memref_slice %arg5[%dma_wait3A_50, %dma_wait3A_51, %dma_wait3A_52] : memref<4x2x128xi32, #tpu.memory_space<vmem>> -> memref<1x1x128xi32, #tpu.memory_space<vmem>>
      %dma_wait3A_54 = tpu.memref_squeeze %dma_wait3A_53 : memref<1x1x128xi32, #tpu.memory_space<vmem>> -> memref<128xi32, #tpu.memory_space<vmem>>
      %dma_wait3A_55 = arith.constant 0 : i32
      %dma_wait3A_56 = arith.constant 0 : i32
      %dma_wait3A_57 = tpu.memref_slice %arg2[%dma_wait3A_55, %dma_wait3A_56] : memref<10240x128xf32, #tpu.memory_space<hbm>> -> memref<10240x128xf32, #tpu.memory_space<hbm>>
      tpu.wait_indirect_dma semaphore(%arg13 : memref<!tpu.dma_semaphore, #tpu.memory_space<semaphore_mem>>) src(%dma_wait3A_57 : memref<10240x128xf32, #tpu.memory_space<hbm>>) dst(%arg8 : memref<128x128xf32, #tpu.memory_space<vmem>>)
      %dma_start3A_58 = arith.constant 2 : i32
      %dma_start3A_59 = arith.constant 0 : i32
      %dma_start3A_60 = arith.constant 0 : i32
      %dma_start3A_61 = tpu.memref_slice %arg5[%dma_start3A_58, %dma_start3A_59, %dma_start3A_60] : memref<4x2x128xi32, #tpu.memory_space<vmem>> -> memref<1x1x128xi32, #tpu.memory_space<vmem>>
      %dma_start3A_62 = tpu.memref_squeeze %dma_start3A_61 : memref<1x1x128xi32, #tpu.memory_space<vmem>> -> memref<128xi32, #tpu.memory_space<vmem>>
      %dma_start3A_63 = arith.constant 0 : i32
      %dma_start3A_64 = arith.constant 0 : i32
      %dma_start3A_65 = tpu.memref_slice %arg2[%dma_start3A_63, %dma_start3A_64] : memref<10240x128xf32, #tpu.memory_space<hbm>> -> memref<10240x128xf32, #tpu.memory_space<hbm>>
      tpu.enqueue_indirect_dma source(%dma_start3A_65 : memref<10240x128xf32, #tpu.memory_space<hbm>>) target(%arg7 : memref<128x128xf32, #tpu.memory_space<vmem>>) offsets(%dma_start3A_62 : memref<128xi32, #tpu.memory_space<vmem>>) semaphore(%arg12 : memref<!tpu.dma_semaphore, #tpu.memory_space<semaphore_mem>>)
      %run_scoped3A_66 = arith.constant 1 : i32
      %run_scoped3A_67 = arith.constant 1 : i32
      "tpu.region"() ({
        %run_scoped3A_185 = tpu.sem_alloc : memref<!tpu.dma_semaphore, #tpu.memory_space<semaphore_mem>>
        %dma_start3A_186 = arith.constant 0 : i32
        %dma_start3A_187 = tpu.memref_slice %arg5[%run_scoped3A_66, %run_scoped3A_67, %dma_start3A_186] : memref<4x2x128xi32, #tpu.memory_space<vmem>> -> memref<1x1x128xi32, #tpu.memory_space<vmem>>
        %dma_start3A_188 = tpu.memref_squeeze %dma_start3A_187 : memref<1x1x128xi32, #tpu.memory_space<vmem>> -> memref<128xi32, #tpu.memory_space<vmem>>
        %dma_start3A_189 = arith.constant 0 : i32
        %dma_start3A_190 = arith.constant 0 : i32
        %dma_start3A_191 = tpu.memref_slice %arg9[%dma_start3A_189, %dma_start3A_190] : memref<10240x128xf32, #tpu.memory_space<vmem_shared>> -> memref<10240x128xf32, #tpu.memory_space<vmem_shared>>
        tpu.enqueue_indirect_dma source(%arg8 : memref<128x128xf32, #tpu.memory_space<vmem>>) target(%dma_start3A_191 : memref<10240x128xf32, #tpu.memory_space<vmem_shared>>) offsets(%dma_start3A_188 : memref<128xi32, #tpu.memory_space<vmem>>) semaphore(%run_scoped3A_185 : memref<!tpu.dma_semaphore, #tpu.memory_space<semaphore_mem>>) {add = true}
        %dma_wait3A_192 = arith.constant 0 : i32
        %dma_wait3A_193 = tpu.memref_slice %arg5[%run_scoped3A_66, %run_scoped3A_67, %dma_wait3A_192] : memref<4x2x128xi32, #tpu.memory_space<vmem>> -> memref<1x1x128xi32, #tpu.memory_space<vmem>>
        %dma_wait3A_194 = tpu.memref_squeeze %dma_wait3A_193 : memref<1x1x128xi32, #tpu.memory_space<vmem>> -> memref<128xi32, #tpu.memory_space<vmem>>
        %dma_wait3A_195 = arith.constant 0 : i32
        %dma_wait3A_196 = arith.constant 0 : i32
        %dma_wait3A_197 = tpu.memref_slice %arg9[%dma_wait3A_195, %dma_wait3A_196] : memref<10240x128xf32, #tpu.memory_space<vmem_shared>> -> memref<10240x128xf32, #tpu.memory_space<vmem_shared>>
        tpu.wait_indirect_dma semaphore(%run_scoped3A_185 : memref<!tpu.dma_semaphore, #tpu.memory_space<semaphore_mem>>) src(%arg8 : memref<128x128xf32, #tpu.memory_space<vmem>>) dst(%dma_wait3A_197 : memref<10240x128xf32, #tpu.memory_space<vmem_shared>>)
        tpu.yield
      }) : () -> ()
      %dma_wait3A_68 = arith.constant 2 : i32
      %dma_wait3A_69 = arith.constant 0 : i32
      %dma_wait3A_70 = arith.constant 0 : i32
      %dma_wait3A_71 = tpu.memref_slice %arg5[%dma_wait3A_68, %dma_wait3A_69, %dma_wait3A_70] : memref<4x2x128xi32, #tpu.memory_space<vmem>> -> memref<1x1x128xi32, #tpu.memory_space<vmem>>
      %dma_wait3A_72 = tpu.memref_squeeze %dma_wait3A_71 : memref<1x1x128xi32, #tpu.memory_space<vmem>> -> memref<128xi32, #tpu.memory_space<vmem>>
      %dma_wait3A_73 = arith.constant 0 : i32
      %dma_wait3A_74 = arith.constant 0 : i32
      %dma_wait3A_75 = tpu.memref_slice %arg2[%dma_wait3A_73, %dma_wait3A_74] : memref<10240x128xf32, #tpu.memory_space<hbm>> -> memref<10240x128xf32, #tpu.memory_space<hbm>>
      tpu.wait_indirect_dma semaphore(%arg12 : memref<!tpu.dma_semaphore, #tpu.memory_space<semaphore_mem>>) src(%dma_wait3A_75 : memref<10240x128xf32, #tpu.memory_space<hbm>>) dst(%arg7 : memref<128x128xf32, #tpu.memory_space<vmem>>)
      %dma_start3A_76 = arith.constant 3 : i32
      %dma_start3A_77 = arith.constant 0 : i32
      %dma_start3A_78 = arith.constant 0 : i32
      %dma_start3A_79 = tpu.memref_slice %arg5[%dma_start3A_76, %dma_start3A_77, %dma_start3A_78] : memref<4x2x128xi32, #tpu.memory_space<vmem>> -> memref<1x1x128xi32, #tpu.memory_space<vmem>>
      %dma_start3A_80 = tpu.memref_squeeze %dma_start3A_79 : memref<1x1x128xi32, #tpu.memory_space<vmem>> -> memref<128xi32, #tpu.memory_space<vmem>>
      %dma_start3A_81 = arith.constant 0 : i32
      %dma_start3A_82 = arith.constant 0 : i32
      %dma_start3A_83 = tpu.memref_slice %arg2[%dma_start3A_81, %dma_start3A_82] : memref<10240x128xf32, #tpu.memory_space<hbm>> -> memref<10240x128xf32, #tpu.memory_space<hbm>>
      tpu.enqueue_indirect_dma source(%dma_start3A_83 : memref<10240x128xf32, #tpu.memory_space<hbm>>) target(%arg8 : memref<128x128xf32, #tpu.memory_space<vmem>>) offsets(%dma_start3A_80 : memref<128xi32, #tpu.memory_space<vmem>>) semaphore(%arg13 : memref<!tpu.dma_semaphore, #tpu.memory_space<semaphore_mem>>)
      %run_scoped3A_84 = arith.constant 2 : i32
      %run_scoped3A_85 = arith.constant 1 : i32
      "tpu.region"() ({
        %run_scoped3A_185 = tpu.sem_alloc : memref<!tpu.dma_semaphore, #tpu.memory_space<semaphore_mem>>
        %dma_start3A_186 = arith.constant 0 : i32
        %dma_start3A_187 = tpu.memref_slice %arg5[%run_scoped3A_84, %run_scoped3A_85, %dma_start3A_186] : memref<4x2x128xi32, #tpu.memory_space<vmem>> -> memref<1x1x128xi32, #tpu.memory_space<vmem>>
        %dma_start3A_188 = tpu.memref_squeeze %dma_start3A_187 : memref<1x1x128xi32, #tpu.memory_space<vmem>> -> memref<128xi32, #tpu.memory_space<vmem>>
        %dma_start3A_189 = arith.constant 0 : i32
        %dma_start3A_190 = arith.constant 0 : i32
        %dma_start3A_191 = tpu.memref_slice %arg9[%dma_start3A_189, %dma_start3A_190] : memref<10240x128xf32, #tpu.memory_space<vmem_shared>> -> memref<10240x128xf32, #tpu.memory_space<vmem_shared>>
        tpu.enqueue_indirect_dma source(%arg7 : memref<128x128xf32, #tpu.memory_space<vmem>>) target(%dma_start3A_191 : memref<10240x128xf32, #tpu.memory_space<vmem_shared>>) offsets(%dma_start3A_188 : memref<128xi32, #tpu.memory_space<vmem>>) semaphore(%run_scoped3A_185 : memref<!tpu.dma_semaphore, #tpu.memory_space<semaphore_mem>>) {add = true}
        %dma_wait3A_192 = arith.constant 0 : i32
        %dma_wait3A_193 = tpu.memref_slice %arg5[%run_scoped3A_84, %run_scoped3A_85, %dma_wait3A_192] : memref<4x2x128xi32, #tpu.memory_space<vmem>> -> memref<1x1x128xi32, #tpu.memory_space<vmem>>
        %dma_wait3A_194 = tpu.memref_squeeze %dma_wait3A_193 : memref<1x1x128xi32, #tpu.memory_space<vmem>> -> memref<128xi32, #tpu.memory_space<vmem>>
        %dma_wait3A_195 = arith.constant 0 : i32
        %dma_wait3A_196 = arith.constant 0 : i32
        %dma_wait3A_197 = tpu.memref_slice %arg9[%dma_wait3A_195, %dma_wait3A_196] : memref<10240x128xf32, #tpu.memory_space<vmem_shared>> -> memref<10240x128xf32, #tpu.memory_space<vmem_shared>>
        tpu.wait_indirect_dma semaphore(%run_scoped3A_185 : memref<!tpu.dma_semaphore, #tpu.memory_space<semaphore_mem>>) src(%arg7 : memref<128x128xf32, #tpu.memory_space<vmem>>) dst(%dma_wait3A_197 : memref<10240x128xf32, #tpu.memory_space<vmem_shared>>)
        tpu.yield
      }) : () -> ()
      %dma_wait3A_86 = arith.constant 3 : i32
      %dma_wait3A_87 = arith.constant 0 : i32
      %dma_wait3A_88 = arith.constant 0 : i32
      %dma_wait3A_89 = tpu.memref_slice %arg5[%dma_wait3A_86, %dma_wait3A_87, %dma_wait3A_88] : memref<4x2x128xi32, #tpu.memory_space<vmem>> -> memref<1x1x128xi32, #tpu.memory_space<vmem>>
      %dma_wait3A_90 = tpu.memref_squeeze %dma_wait3A_89 : memref<1x1x128xi32, #tpu.memory_space<vmem>> -> memref<128xi32, #tpu.memory_space<vmem>>
      %dma_wait3A_91 = arith.constant 0 : i32
      %dma_wait3A_92 = arith.constant 0 : i32
      %dma_wait3A_93 = tpu.memref_slice %arg2[%dma_wait3A_91, %dma_wait3A_92] : memref<10240x128xf32, #tpu.memory_space<hbm>> -> memref<10240x128xf32, #tpu.memory_space<hbm>>
      tpu.wait_indirect_dma semaphore(%arg13 : memref<!tpu.dma_semaphore, #tpu.memory_space<semaphore_mem>>) src(%dma_wait3A_93 : memref<10240x128xf32, #tpu.memory_space<hbm>>) dst(%arg8 : memref<128x128xf32, #tpu.memory_space<vmem>>)
      %add3A_94 = arith.constant 4 : i32
      %add3A_95 = arith.addi %add3A_31, %add3A_94 : i32
      %dma_wait3A_96 = arith.constant 0 : i32
      %dma_wait3A_97 = arith.constant 0 : i32
      %dma_wait3A_98 = tpu.memref_slice %arg3[%add3A_95, %dma_wait3A_96, %dma_wait3A_97] : memref<2560x2x128xi32, #tpu.memory_space<hbm>> -> memref<4x2x128xi32, #tpu.memory_space<hbm>>
      %dma_wait3A_99 = arith.constant 0 : i32
      %dma_wait3A_100 = arith.constant 0 : i32
      %dma_wait3A_101 = tpu.memref_slice %arg3[%add3A_95, %dma_wait3A_99, %dma_wait3A_100] : memref<2560x2x128xi32, #tpu.memory_space<hbm>> -> memref<4x2x128xi32, #tpu.memory_space<hbm>>
      tpu.wait_dma2 semaphore(%arg11 : memref<!tpu.dma_semaphore, #tpu.memory_space<semaphore_mem>>) src(%dma_wait3A_101 : memref<4x2x128xi32, #tpu.memory_space<hbm>>) dst(%arg6 : memref<4x2x128xi32, #tpu.memory_space<vmem>>)
      %dma_start3A_102 = arith.constant 0 : i32
      %dma_start3A_103 = arith.constant 0 : i32
      %dma_start3A_104 = arith.constant 0 : i32
      %dma_start3A_105 = tpu.memref_slice %arg6[%dma_start3A_102, %dma_start3A_103, %dma_start3A_104] : memref<4x2x128xi32, #tpu.memory_space<vmem>> -> memref<1x1x128xi32, #tpu.memory_space<vmem>>
      %dma_start3A_106 = tpu.memref_squeeze %dma_start3A_105 : memref<1x1x128xi32, #tpu.memory_space<vmem>> -> memref<128xi32, #tpu.memory_space<vmem>>
      %dma_start3A_107 = arith.constant 0 : i32
      %dma_start3A_108 = arith.constant 0 : i32
      %dma_start3A_109 = tpu.memref_slice %arg2[%dma_start3A_107, %dma_start3A_108] : memref<10240x128xf32, #tpu.memory_space<hbm>> -> memref<10240x128xf32, #tpu.memory_space<hbm>>
      tpu.enqueue_indirect_dma source(%dma_start3A_109 : memref<10240x128xf32, #tpu.memory_space<hbm>>) target(%arg7 : memref<128x128xf32, #tpu.memory_space<vmem>>) offsets(%dma_start3A_106 : memref<128xi32, #tpu.memory_space<vmem>>) semaphore(%arg12 : memref<!tpu.dma_semaphore, #tpu.memory_space<semaphore_mem>>)
      %run_scoped3A_110 = arith.constant 3 : i32
      %run_scoped3A_111 = arith.constant 1 : i32
      "tpu.region"() ({
        %run_scoped3A_185 = tpu.sem_alloc : memref<!tpu.dma_semaphore, #tpu.memory_space<semaphore_mem>>
        %dma_start3A_186 = arith.constant 0 : i32
        %dma_start3A_187 = tpu.memref_slice %arg5[%run_scoped3A_110, %run_scoped3A_111, %dma_start3A_186] : memref<4x2x128xi32, #tpu.memory_space<vmem>> -> memref<1x1x128xi32, #tpu.memory_space<vmem>>
        %dma_start3A_188 = tpu.memref_squeeze %dma_start3A_187 : memref<1x1x128xi32, #tpu.memory_space<vmem>> -> memref<128xi32, #tpu.memory_space<vmem>>
        %dma_start3A_189 = arith.constant 0 : i32
        %dma_start3A_190 = arith.constant 0 : i32
        %dma_start3A_191 = tpu.memref_slice %arg9[%dma_start3A_189, %dma_start3A_190] : memref<10240x128xf32, #tpu.memory_space<vmem_shared>> -> memref<10240x128xf32, #tpu.memory_space<vmem_shared>>
        tpu.enqueue_indirect_dma source(%arg8 : memref<128x128xf32, #tpu.memory_space<vmem>>) target(%dma_start3A_191 : memref<10240x128xf32, #tpu.memory_space<vmem_shared>>) offsets(%dma_start3A_188 : memref<128xi32, #tpu.memory_space<vmem>>) semaphore(%run_scoped3A_185 : memref<!tpu.dma_semaphore, #tpu.memory_space<semaphore_mem>>) {add = true}
        %dma_wait3A_192 = arith.constant 0 : i32
        %dma_wait3A_193 = tpu.memref_slice %arg5[%run_scoped3A_110, %run_scoped3A_111, %dma_wait3A_192] : memref<4x2x128xi32, #tpu.memory_space<vmem>> -> memref<1x1x128xi32, #tpu.memory_space<vmem>>
        %dma_wait3A_194 = tpu.memref_squeeze %dma_wait3A_193 : memref<1x1x128xi32, #tpu.memory_space<vmem>> -> memref<128xi32, #tpu.memory_space<vmem>>
        %dma_wait3A_195 = arith.constant 0 : i32
        %dma_wait3A_196 = arith.constant 0 : i32
        %dma_wait3A_197 = tpu.memref_slice %arg9[%dma_wait3A_195, %dma_wait3A_196] : memref<10240x128xf32, #tpu.memory_space<vmem_shared>> -> memref<10240x128xf32, #tpu.memory_space<vmem_shared>>
        tpu.wait_indirect_dma semaphore(%run_scoped3A_185 : memref<!tpu.dma_semaphore, #tpu.memory_space<semaphore_mem>>) src(%arg8 : memref<128x128xf32, #tpu.memory_space<vmem>>) dst(%dma_wait3A_197 : memref<10240x128xf32, #tpu.memory_space<vmem_shared>>)
        tpu.yield
      }) : () -> ()
      %dma_wait3A_112 = arith.constant 0 : i32
      %dma_wait3A_113 = arith.constant 0 : i32
      %dma_wait3A_114 = arith.constant 0 : i32
      %dma_wait3A_115 = tpu.memref_slice %arg6[%dma_wait3A_112, %dma_wait3A_113, %dma_wait3A_114] : memref<4x2x128xi32, #tpu.memory_space<vmem>> -> memref<1x1x128xi32, #tpu.memory_space<vmem>>
      %dma_wait3A_116 = tpu.memref_squeeze %dma_wait3A_115 : memref<1x1x128xi32, #tpu.memory_space<vmem>> -> memref<128xi32, #tpu.memory_space<vmem>>
      %dma_wait3A_117 = arith.constant 0 : i32
      %dma_wait3A_118 = arith.constant 0 : i32
      %dma_wait3A_119 = tpu.memref_slice %arg2[%dma_wait3A_117, %dma_wait3A_118] : memref<10240x128xf32, #tpu.memory_space<hbm>> -> memref<10240x128xf32, #tpu.memory_space<hbm>>
      tpu.wait_indirect_dma semaphore(%arg12 : memref<!tpu.dma_semaphore, #tpu.memory_space<semaphore_mem>>) src(%dma_wait3A_119 : memref<10240x128xf32, #tpu.memory_space<hbm>>) dst(%arg7 : memref<128x128xf32, #tpu.memory_space<vmem>>)
      %lt3A = arith.constant 9 : i32
      %lt3A_120 = arith.cmpi slt, %scan3A_26, %lt3A : i32
      %convert_element_type3A_121 = arith.extui %lt3A_120 : i1 to i32
      %cond3A_122 = arith.constant 0 : i32
      %cond3A_123 = arith.cmpi ne, %convert_element_type3A_121, %cond3A_122 : i32
      scf.if %cond3A_123 {
        %add3A_185 = arith.constant 8 : i32
        %add3A_186 = arith.addi %add3A_31, %add3A_185 : i32
        %dma_start3A_187 = arith.constant 0 : i32
        %dma_start3A_188 = arith.constant 0 : i32
        %dma_start3A_189 = tpu.memref_slice %arg3[%add3A_186, %dma_start3A_187, %dma_start3A_188] : memref<2560x2x128xi32, #tpu.memory_space<hbm>> -> memref<4x2x128xi32, #tpu.memory_space<hbm>>
        %dma_start3A_190 = arith.constant 0 : i32
        %dma_start3A_191 = arith.constant 0 : i32
        %dma_start3A_192 = tpu.memref_slice %arg3[%add3A_186, %dma_start3A_190, %dma_start3A_191] : memref<2560x2x128xi32, #tpu.memory_space<hbm>> -> memref<4x2x128xi32, #tpu.memory_space<hbm>>
        tpu.enqueue_dma source(%dma_start3A_192 : memref<4x2x128xi32, #tpu.memory_space<hbm>>) target(%arg5 : memref<4x2x128xi32, #tpu.memory_space<vmem>>) target_semaphore(%arg10 : memref<!tpu.dma_semaphore, #tpu.memory_space<semaphore_mem>>)
      } else {
      }
      %dma_start3A_124 = arith.constant 1 : i32
      %dma_start3A_125 = arith.constant 0 : i32
      %dma_start3A_126 = arith.constant 0 : i32
      %dma_start3A_127 = tpu.memref_slice %arg6[%dma_start3A_124, %dma_start3A_125, %dma_start3A_126] : memref<4x2x128xi32, #tpu.memory_space<vmem>> -> memref<1x1x128xi32, #tpu.memory_space<vmem>>
      %dma_start3A_128 = tpu.memref_squeeze %dma_start3A_127 : memref<1x1x128xi32, #tpu.memory_space<vmem>> -> memref<128xi32, #tpu.memory_space<vmem>>
      %dma_start3A_129 = arith.constant 0 : i32
      %dma_start3A_130 = arith.constant 0 : i32
      %dma_start3A_131 = tpu.memref_slice %arg2[%dma_start3A_129, %dma_start3A_130] : memref<10240x128xf32, #tpu.memory_space<hbm>> -> memref<10240x128xf32, #tpu.memory_space<hbm>>
      tpu.enqueue_indirect_dma source(%dma_start3A_131 : memref<10240x128xf32, #tpu.memory_space<hbm>>) target(%arg8 : memref<128x128xf32, #tpu.memory_space<vmem>>) offsets(%dma_start3A_128 : memref<128xi32, #tpu.memory_space<vmem>>) semaphore(%arg13 : memref<!tpu.dma_semaphore, #tpu.memory_space<semaphore_mem>>)
      %run_scoped3A_132 = arith.constant 0 : i32
      %run_scoped3A_133 = arith.constant 1 : i32
      "tpu.region"() ({
        %run_scoped3A_185 = tpu.sem_alloc : memref<!tpu.dma_semaphore, #tpu.memory_space<semaphore_mem>>
        %dma_start3A_186 = arith.constant 0 : i32
        %dma_start3A_187 = tpu.memref_slice %arg6[%run_scoped3A_132, %run_scoped3A_133, %dma_start3A_186] : memref<4x2x128xi32, #tpu.memory_space<vmem>> -> memref<1x1x128xi32, #tpu.memory_space<vmem>>
        %dma_start3A_188 = tpu.memref_squeeze %dma_start3A_187 : memref<1x1x128xi32, #tpu.memory_space<vmem>> -> memref<128xi32, #tpu.memory_space<vmem>>
        %dma_start3A_189 = arith.constant 0 : i32
        %dma_start3A_190 = arith.constant 0 : i32
        %dma_start3A_191 = tpu.memref_slice %arg9[%dma_start3A_189, %dma_start3A_190] : memref<10240x128xf32, #tpu.memory_space<vmem_shared>> -> memref<10240x128xf32, #tpu.memory_space<vmem_shared>>
        tpu.enqueue_indirect_dma source(%arg7 : memref<128x128xf32, #tpu.memory_space<vmem>>) target(%dma_start3A_191 : memref<10240x128xf32, #tpu.memory_space<vmem_shared>>) offsets(%dma_start3A_188 : memref<128xi32, #tpu.memory_space<vmem>>) semaphore(%run_scoped3A_185 : memref<!tpu.dma_semaphore, #tpu.memory_space<semaphore_mem>>) {add = true}
        %dma_wait3A_192 = arith.constant 0 : i32
        %dma_wait3A_193 = tpu.memref_slice %arg6[%run_scoped3A_132, %run_scoped3A_133, %dma_wait3A_192] : memref<4x2x128xi32, #tpu.memory_space<vmem>> -> memref<1x1x128xi32, #tpu.memory_space<vmem>>
        %dma_wait3A_194 = tpu.memref_squeeze %dma_wait3A_193 : memref<1x1x128xi32, #tpu.memory_space<vmem>> -> memref<128xi32, #tpu.memory_space<vmem>>
        %dma_wait3A_195 = arith.constant 0 : i32
        %dma_wait3A_196 = arith.constant 0 : i32
        %dma_wait3A_197 = tpu.memref_slice %arg9[%dma_wait3A_195, %dma_wait3A_196] : memref<10240x128xf32, #tpu.memory_space<vmem_shared>> -> memref<10240x128xf32, #tpu.memory_space<vmem_shared>>
        tpu.wait_indirect_dma semaphore(%run_scoped3A_185 : memref<!tpu.dma_semaphore, #tpu.memory_space<semaphore_mem>>) src(%arg7 : memref<128x128xf32, #tpu.memory_space<vmem>>) dst(%dma_wait3A_197 : memref<10240x128xf32, #tpu.memory_space<vmem_shared>>)
        tpu.yield
      }) : () -> ()
      %dma_wait3A_134 = arith.constant 1 : i32
      %dma_wait3A_135 = arith.constant 0 : i32
      %dma_wait3A_136 = arith.constant 0 : i32
      %dma_wait3A_137 = tpu.memref_slice %arg6[%dma_wait3A_134, %dma_wait3A_135, %dma_wait3A_136] : memref<4x2x128xi32, #tpu.memory_space<vmem>> -> memref<1x1x128xi32, #tpu.memory_space<vmem>>
      %dma_wait3A_138 = tpu.memref_squeeze %dma_wait3A_137 : memref<1x1x128xi32, #tpu.memory_space<vmem>> -> memref<128xi32, #tpu.memory_space<vmem>>
      %dma_wait3A_139 = arith.constant 0 : i32
      %dma_wait3A_140 = arith.constant 0 : i32
      %dma_wait3A_141 = tpu.memref_slice %arg2[%dma_wait3A_139, %dma_wait3A_140] : memref<10240x128xf32, #tpu.memory_space<hbm>> -> memref<10240x128xf32, #tpu.memory_space<hbm>>
      tpu.wait_indirect_dma semaphore(%arg13 : memref<!tpu.dma_semaphore, #tpu.memory_space<semaphore_mem>>) src(%dma_wait3A_141 : memref<10240x128xf32, #tpu.memory_space<hbm>>) dst(%arg8 : memref<128x128xf32, #tpu.memory_space<vmem>>)
      %dma_start3A_142 = arith.constant 2 : i32
      %dma_start3A_143 = arith.constant 0 : i32
      %dma_start3A_144 = arith.constant 0 : i32
      %dma_start3A_145 = tpu.memref_slice %arg6[%dma_start3A_142, %dma_start3A_143, %dma_start3A_144] : memref<4x2x128xi32, #tpu.memory_space<vmem>> -> memref<1x1x128xi32, #tpu.memory_space<vmem>>
      %dma_start3A_146 = tpu.memref_squeeze %dma_start3A_145 : memref<1x1x128xi32, #tpu.memory_space<vmem>> -> memref<128xi32, #tpu.memory_space<vmem>>
      %dma_start3A_147 = arith.constant 0 : i32
      %dma_start3A_148 = arith.constant 0 : i32
      %dma_start3A_149 = tpu.memref_slice %arg2[%dma_start3A_147, %dma_start3A_148] : memref<10240x128xf32, #tpu.memory_space<hbm>> -> memref<10240x128xf32, #tpu.memory_space<hbm>>
      tpu.enqueue_indirect_dma source(%dma_start3A_149 : memref<10240x128xf32, #tpu.memory_space<hbm>>) target(%arg7 : memref<128x128xf32, #tpu.memory_space<vmem>>) offsets(%dma_start3A_146 : memref<128xi32, #tpu.memory_space<vmem>>) semaphore(%arg12 : memref<!tpu.dma_semaphore, #tpu.memory_space<semaphore_mem>>)
      %run_scoped3A_150 = arith.constant 1 : i32
      %run_scoped3A_151 = arith.constant 1 : i32
      "tpu.region"() ({
        %run_scoped3A_185 = tpu.sem_alloc : memref<!tpu.dma_semaphore, #tpu.memory_space<semaphore_mem>>
        %dma_start3A_186 = arith.constant 0 : i32
        %dma_start3A_187 = tpu.memref_slice %arg6[%run_scoped3A_150, %run_scoped3A_151, %dma_start3A_186] : memref<4x2x128xi32, #tpu.memory_space<vmem>> -> memref<1x1x128xi32, #tpu.memory_space<vmem>>
        %dma_start3A_188 = tpu.memref_squeeze %dma_start3A_187 : memref<1x1x128xi32, #tpu.memory_space<vmem>> -> memref<128xi32, #tpu.memory_space<vmem>>
        %dma_start3A_189 = arith.constant 0 : i32
        %dma_start3A_190 = arith.constant 0 : i32
        %dma_start3A_191 = tpu.memref_slice %arg9[%dma_start3A_189, %dma_start3A_190] : memref<10240x128xf32, #tpu.memory_space<vmem_shared>> -> memref<10240x128xf32, #tpu.memory_space<vmem_shared>>
        tpu.enqueue_indirect_dma source(%arg8 : memref<128x128xf32, #tpu.memory_space<vmem>>) target(%dma_start3A_191 : memref<10240x128xf32, #tpu.memory_space<vmem_shared>>) offsets(%dma_start3A_188 : memref<128xi32, #tpu.memory_space<vmem>>) semaphore(%run_scoped3A_185 : memref<!tpu.dma_semaphore, #tpu.memory_space<semaphore_mem>>) {add = true}
        %dma_wait3A_192 = arith.constant 0 : i32
        %dma_wait3A_193 = tpu.memref_slice %arg6[%run_scoped3A_150, %run_scoped3A_151, %dma_wait3A_192] : memref<4x2x128xi32, #tpu.memory_space<vmem>> -> memref<1x1x128xi32, #tpu.memory_space<vmem>>
        %dma_wait3A_194 = tpu.memref_squeeze %dma_wait3A_193 : memref<1x1x128xi32, #tpu.memory_space<vmem>> -> memref<128xi32, #tpu.memory_space<vmem>>
        %dma_wait3A_195 = arith.constant 0 : i32
        %dma_wait3A_196 = arith.constant 0 : i32
        %dma_wait3A_197 = tpu.memref_slice %arg9[%dma_wait3A_195, %dma_wait3A_196] : memref<10240x128xf32, #tpu.memory_space<vmem_shared>> -> memref<10240x128xf32, #tpu.memory_space<vmem_shared>>
        tpu.wait_indirect_dma semaphore(%run_scoped3A_185 : memref<!tpu.dma_semaphore, #tpu.memory_space<semaphore_mem>>) src(%arg8 : memref<128x128xf32, #tpu.memory_space<vmem>>) dst(%dma_wait3A_197 : memref<10240x128xf32, #tpu.memory_space<vmem_shared>>)
        tpu.yield
      }) : () -> ()
      %dma_wait3A_152 = arith.constant 2 : i32
      %dma_wait3A_153 = arith.constant 0 : i32
      %dma_wait3A_154 = arith.constant 0 : i32
      %dma_wait3A_155 = tpu.memref_slice %arg6[%dma_wait3A_152, %dma_wait3A_153, %dma_wait3A_154] : memref<4x2x128xi32, #tpu.memory_space<vmem>> -> memref<1x1x128xi32, #tpu.memory_space<vmem>>
      %dma_wait3A_156 = tpu.memref_squeeze %dma_wait3A_155 : memref<1x1x128xi32, #tpu.memory_space<vmem>> -> memref<128xi32, #tpu.memory_space<vmem>>
      %dma_wait3A_157 = arith.constant 0 : i32
      %dma_wait3A_158 = arith.constant 0 : i32
      %dma_wait3A_159 = tpu.memref_slice %arg2[%dma_wait3A_157, %dma_wait3A_158] : memref<10240x128xf32, #tpu.memory_space<hbm>> -> memref<10240x128xf32, #tpu.memory_space<hbm>>
      tpu.wait_indirect_dma semaphore(%arg12 : memref<!tpu.dma_semaphore, #tpu.memory_space<semaphore_mem>>) src(%dma_wait3A_159 : memref<10240x128xf32, #tpu.memory_space<hbm>>) dst(%arg7 : memref<128x128xf32, #tpu.memory_space<vmem>>)
      %dma_start3A_160 = arith.constant 3 : i32
      %dma_start3A_161 = arith.constant 0 : i32
      %dma_start3A_162 = arith.constant 0 : i32
      %dma_start3A_163 = tpu.memref_slice %arg6[%dma_start3A_160, %dma_start3A_161, %dma_start3A_162] : memref<4x2x128xi32, #tpu.memory_space<vmem>> -> memref<1x1x128xi32, #tpu.memory_space<vmem>>
      %dma_start3A_164 = tpu.memref_squeeze %dma_start3A_163 : memref<1x1x128xi32, #tpu.memory_space<vmem>> -> memref<128xi32, #tpu.memory_space<vmem>>
      %dma_start3A_165 = arith.constant 0 : i32
      %dma_start3A_166 = arith.constant 0 : i32
      %dma_start3A_167 = tpu.memref_slice %arg2[%dma_start3A_165, %dma_start3A_166] : memref<10240x128xf32, #tpu.memory_space<hbm>> -> memref<10240x128xf32, #tpu.memory_space<hbm>>
      tpu.enqueue_indirect_dma source(%dma_start3A_167 : memref<10240x128xf32, #tpu.memory_space<hbm>>) target(%arg8 : memref<128x128xf32, #tpu.memory_space<vmem>>) offsets(%dma_start3A_164 : memref<128xi32, #tpu.memory_space<vmem>>) semaphore(%arg13 : memref<!tpu.dma_semaphore, #tpu.memory_space<semaphore_mem>>)
      %run_scoped3A_168 = arith.constant 2 : i32
      %run_scoped3A_169 = arith.constant 1 : i32
      "tpu.region"() ({
        %run_scoped3A_185 = tpu.sem_alloc : memref<!tpu.dma_semaphore, #tpu.memory_space<semaphore_mem>>
        %dma_start3A_186 = arith.constant 0 : i32
        %dma_start3A_187 = tpu.memref_slice %arg6[%run_scoped3A_168, %run_scoped3A_169, %dma_start3A_186] : memref<4x2x128xi32, #tpu.memory_space<vmem>> -> memref<1x1x128xi32, #tpu.memory_space<vmem>>
        %dma_start3A_188 = tpu.memref_squeeze %dma_start3A_187 : memref<1x1x128xi32, #tpu.memory_space<vmem>> -> memref<128xi32, #tpu.memory_space<vmem>>
        %dma_start3A_189 = arith.constant 0 : i32
        %dma_start3A_190 = arith.constant 0 : i32
        %dma_start3A_191 = tpu.memref_slice %arg9[%dma_start3A_189, %dma_start3A_190] : memref<10240x128xf32, #tpu.memory_space<vmem_shared>> -> memref<10240x128xf32, #tpu.memory_space<vmem_shared>>
        tpu.enqueue_indirect_dma source(%arg7 : memref<128x128xf32, #tpu.memory_space<vmem>>) target(%dma_start3A_191 : memref<10240x128xf32, #tpu.memory_space<vmem_shared>>) offsets(%dma_start3A_188 : memref<128xi32, #tpu.memory_space<vmem>>) semaphore(%run_scoped3A_185 : memref<!tpu.dma_semaphore, #tpu.memory_space<semaphore_mem>>) {add = true}
        %dma_wait3A_192 = arith.constant 0 : i32
        %dma_wait3A_193 = tpu.memref_slice %arg6[%run_scoped3A_168, %run_scoped3A_169, %dma_wait3A_192] : memref<4x2x128xi32, #tpu.memory_space<vmem>> -> memref<1x1x128xi32, #tpu.memory_space<vmem>>
        %dma_wait3A_194 = tpu.memref_squeeze %dma_wait3A_193 : memref<1x1x128xi32, #tpu.memory_space<vmem>> -> memref<128xi32, #tpu.memory_space<vmem>>
        %dma_wait3A_195 = arith.constant 0 : i32
        %dma_wait3A_196 = arith.constant 0 : i32
        %dma_wait3A_197 = tpu.memref_slice %arg9[%dma_wait3A_195, %dma_wait3A_196] : memref<10240x128xf32, #tpu.memory_space<vmem_shared>> -> memref<10240x128xf32, #tpu.memory_space<vmem_shared>>
        tpu.wait_indirect_dma semaphore(%run_scoped3A_185 : memref<!tpu.dma_semaphore, #tpu.memory_space<semaphore_mem>>) src(%arg7 : memref<128x128xf32, #tpu.memory_space<vmem>>) dst(%dma_wait3A_197 : memref<10240x128xf32, #tpu.memory_space<vmem_shared>>)
        tpu.yield
      }) : () -> ()
      %dma_wait3A_170 = arith.constant 3 : i32
      %dma_wait3A_171 = arith.constant 0 : i32
      %dma_wait3A_172 = arith.constant 0 : i32
      %dma_wait3A_173 = tpu.memref_slice %arg6[%dma_wait3A_170, %dma_wait3A_171, %dma_wait3A_172] : memref<4x2x128xi32, #tpu.memory_space<vmem>> -> memref<1x1x128xi32, #tpu.memory_space<vmem>>
      %dma_wait3A_174 = tpu.memref_squeeze %dma_wait3A_173 : memref<1x1x128xi32, #tpu.memory_space<vmem>> -> memref<128xi32, #tpu.memory_space<vmem>>
      %dma_wait3A_175 = arith.constant 0 : i32
      %dma_wait3A_176 = arith.constant 0 : i32
      %dma_wait3A_177 = tpu.memref_slice %arg2[%dma_wait3A_175, %dma_wait3A_176] : memref<10240x128xf32, #tpu.memory_space<hbm>> -> memref<10240x128xf32, #tpu.memory_space<hbm>>
      tpu.wait_indirect_dma semaphore(%arg13 : memref<!tpu.dma_semaphore, #tpu.memory_space<semaphore_mem>>) src(%dma_wait3A_177 : memref<10240x128xf32, #tpu.memory_space<hbm>>) dst(%arg8 : memref<128x128xf32, #tpu.memory_space<vmem>>)
      %lt3A_178 = arith.constant 9 : i32
      %lt3A_179 = arith.cmpi slt, %scan3A_26, %lt3A_178 : i32
      %convert_element_type3A_180 = arith.extui %lt3A_179 : i1 to i32
      %cond3A_181 = arith.constant 0 : i32
      %cond3A_182 = arith.cmpi ne, %convert_element_type3A_180, %cond3A_181 : i32
      scf.if %cond3A_182 {
        %add3A_185 = arith.constant 8 : i32
        %add3A_186 = arith.addi %add3A_31, %add3A_185 : i32
        %dma_wait3A_187 = arith.constant 0 : i32
        %dma_wait3A_188 = arith.constant 0 : i32
        %dma_wait3A_189 = tpu.memref_slice %arg3[%add3A_186, %dma_wait3A_187, %dma_wait3A_188] : memref<2560x2x128xi32, #tpu.memory_space<hbm>> -> memref<4x2x128xi32, #tpu.memory_space<hbm>>
        %dma_wait3A_190 = arith.constant 0 : i32
        %dma_wait3A_191 = arith.constant 0 : i32
        %dma_wait3A_192 = tpu.memref_slice %arg3[%add3A_186, %dma_wait3A_190, %dma_wait3A_191] : memref<2560x2x128xi32, #tpu.memory_space<hbm>> -> memref<4x2x128xi32, #tpu.memory_space<hbm>>
        tpu.wait_dma2 semaphore(%arg10 : memref<!tpu.dma_semaphore, #tpu.memory_space<semaphore_mem>>) src(%dma_wait3A_192 : memref<4x2x128xi32, #tpu.memory_space<hbm>>) dst(%arg5 : memref<4x2x128xi32, #tpu.memory_space<vmem>>)
        %dma_start3A_193 = arith.constant 0 : i32
        %dma_start3A_194 = arith.constant 0 : i32
        %dma_start3A_195 = arith.constant 0 : i32
        %dma_start3A_196 = tpu.memref_slice %arg5[%dma_start3A_193, %dma_start3A_194, %dma_start3A_195] : memref<4x2x128xi32, #tpu.memory_space<vmem>> -> memref<1x1x128xi32, #tpu.memory_space<vmem>>
        %dma_start3A_197 = tpu.memref_squeeze %dma_start3A_196 : memref<1x1x128xi32, #tpu.memory_space<vmem>> -> memref<128xi32, #tpu.memory_space<vmem>>
        %dma_start3A_198 = arith.constant 0 : i32
        %dma_start3A_199 = arith.constant 0 : i32
        %dma_start3A_200 = tpu.memref_slice %arg2[%dma_start3A_198, %dma_start3A_199] : memref<10240x128xf32, #tpu.memory_space<hbm>> -> memref<10240x128xf32, #tpu.memory_space<hbm>>
        tpu.enqueue_indirect_dma source(%dma_start3A_200 : memref<10240x128xf32, #tpu.memory_space<hbm>>) target(%arg7 : memref<128x128xf32, #tpu.memory_space<vmem>>) offsets(%dma_start3A_197 : memref<128xi32, #tpu.memory_space<vmem>>) semaphore(%arg12 : memref<!tpu.dma_semaphore, #tpu.memory_space<semaphore_mem>>)
      } else {
      }
      %run_scoped3A_183 = arith.constant 3 : i32
      %run_scoped3A_184 = arith.constant 1 : i32
      "tpu.region"() ({
        %run_scoped3A_185 = tpu.sem_alloc : memref<!tpu.dma_semaphore, #tpu.memory_space<semaphore_mem>>
        %dma_start3A_186 = arith.constant 0 : i32
        %dma_start3A_187 = tpu.memref_slice %arg6[%run_scoped3A_183, %run_scoped3A_184, %dma_start3A_186] : memref<4x2x128xi32, #tpu.memory_space<vmem>> -> memref<1x1x128xi32, #tpu.memory_space<vmem>>
        %dma_start3A_188 = tpu.memref_squeeze %dma_start3A_187 : memref<1x1x128xi32, #tpu.memory_space<vmem>> -> memref<128xi32, #tpu.memory_space<vmem>>
        %dma_start3A_189 = arith.constant 0 : i32
        %dma_start3A_190 = arith.constant 0 : i32
        %dma_start3A_191 = tpu.memref_slice %arg9[%dma_start3A_189, %dma_start3A_190] : memref<10240x128xf32, #tpu.memory_space<vmem_shared>> -> memref<10240x128xf32, #tpu.memory_space<vmem_shared>>
        tpu.enqueue_indirect_dma source(%arg8 : memref<128x128xf32, #tpu.memory_space<vmem>>) target(%dma_start3A_191 : memref<10240x128xf32, #tpu.memory_space<vmem_shared>>) offsets(%dma_start3A_188 : memref<128xi32, #tpu.memory_space<vmem>>) semaphore(%run_scoped3A_185 : memref<!tpu.dma_semaphore, #tpu.memory_space<semaphore_mem>>) {add = true}
        %dma_wait3A_192 = arith.constant 0 : i32
        %dma_wait3A_193 = tpu.memref_slice %arg6[%run_scoped3A_183, %run_scoped3A_184, %dma_wait3A_192] : memref<4x2x128xi32, #tpu.memory_space<vmem>> -> memref<1x1x128xi32, #tpu.memory_space<vmem>>
        %dma_wait3A_194 = tpu.memref_squeeze %dma_wait3A_193 : memref<1x1x128xi32, #tpu.memory_space<vmem>> -> memref<128xi32, #tpu.memory_space<vmem>>
        %dma_wait3A_195 = arith.constant 0 : i32
        %dma_wait3A_196 = arith.constant 0 : i32
        %dma_wait3A_197 = tpu.memref_slice %arg9[%dma_wait3A_195, %dma_wait3A_196] : memref<10240x128xf32, #tpu.memory_space<vmem_shared>> -> memref<10240x128xf32, #tpu.memory_space<vmem_shared>>
        tpu.wait_indirect_dma semaphore(%run_scoped3A_185 : memref<!tpu.dma_semaphore, #tpu.memory_space<semaphore_mem>>) src(%arg8 : memref<128x128xf32, #tpu.memory_space<vmem>>) dst(%dma_wait3A_197 : memref<10240x128xf32, #tpu.memory_space<vmem_shared>>)
        tpu.yield
      }) : () -> ()
    }
    %scan3A_24 = arith.constant 10 : i32
    %barrier3A_25 = arith.constant 0 : index
    tpu.barrier barrier_id(%barrier3A_25)
    "tpu.region"() ({
      %run_scoped3A = tpu.sem_alloc : memref<!tpu.dma_semaphore, #tpu.memory_space<semaphore_mem>>
      %dma_start3A_26 = arith.constant 0 : i32
      %dma_start3A_27 = tpu.memref_slice %arg4[%arg0, %mul3A_0, %dma_start3A_26] : memref<2x10240x128xf32, #tpu.memory_space<hbm>> -> memref<1x640x128xf32, #tpu.memory_space<hbm>>
      %dma_start3A_28 = tpu.memref_squeeze %dma_start3A_27 : memref<1x640x128xf32, #tpu.memory_space<hbm>> -> memref<640x128xf32, #tpu.memory_space<hbm>>
      %dma_start3A_29 = arith.constant 0 : i32
      %dma_start3A_30 = tpu.memref_slice %arg9[%mul3A_0, %dma_start3A_29] : memref<10240x128xf32, #tpu.memory_space<vmem_shared>> -> memref<640x128xf32, #tpu.memory_space<vmem_shared>>
      tpu.enqueue_dma source(%dma_start3A_30 : memref<640x128xf32, #tpu.memory_space<vmem_shared>>) target(%dma_start3A_28 : memref<640x128xf32, #tpu.memory_space<hbm>>) target_semaphore(%run_scoped3A : memref<!tpu.dma_semaphore, #tpu.memory_space<semaphore_mem>>)
      %dma_wait3A = arith.constant 0 : i32
      %dma_wait3A_31 = tpu.memref_slice %arg4[%arg0, %mul3A_0, %dma_wait3A] : memref<2x10240x128xf32, #tpu.memory_space<hbm>> -> memref<1x640x128xf32, #tpu.memory_space<hbm>>
      %dma_wait3A_32 = tpu.memref_squeeze %dma_wait3A_31 : memref<1x640x128xf32, #tpu.memory_space<hbm>> -> memref<640x128xf32, #tpu.memory_space<hbm>>
      %dma_wait3A_33 = arith.constant 0 : i32
      %dma_wait3A_34 = tpu.memref_slice %arg9[%mul3A_0, %dma_wait3A_33] : memref<10240x128xf32, #tpu.memory_space<vmem_shared>> -> memref<640x128xf32, #tpu.memory_space<vmem_shared>>
      tpu.wait_dma2 semaphore(%run_scoped3A : memref<!tpu.dma_semaphore, #tpu.memory_space<semaphore_mem>>) src(%dma_wait3A_34 : memref<640x128xf32, #tpu.memory_space<vmem_shared>>) dst(%dma_wait3A_32 : memref<640x128xf32, #tpu.memory_space<hbm>>)
      tpu.yield
    }) : () -> ()
    return
  }
}

#map = affine_map<(d0, d1) -> (0, 0)>
#map1 = affine_map<(d0, d1) -> (0, 0, 0)>
module attributes {stable_mosaic.version = 14 : i64} {
  func.func @k(%arg0: i32, %arg1: i32, %arg2: memref<10240x128xf32, #tpu.memory_space<hbm>>, %arg3: memref<2560x2x128xi32, #tpu.memory_space<hbm>>, %arg4: memref<2x10240x128xf32, #tpu.memory_space<hbm>>, %arg5: memref<4x2x128xi32, #tpu.memory_space<vmem>>, %arg6: memref<4x2x128xi32, #tpu.memory_space<vmem>>, %arg7: memref<128x128xf32, #tpu.memory_space<vmem>>, %arg8: memref<128x128xf32, #tpu.memory_space<vmem>>, %arg9: memref<10240x128xf32, #tpu.memory_space<vmem_shared>>, %arg10: memref<!tpu.dma_semaphore, #tpu.memory_space<semaphore_mem>>, %arg11: memref<!tpu.dma_semaphore, #tpu.memory_space<semaphore_mem>>, %arg12: memref<!tpu.dma_semaphore, #tpu.memory_space<semaphore_mem>>, %arg13: memref<!tpu.dma_semaphore, #tpu.memory_space<semaphore_mem>>) attributes {dimension_semantics = [#tpu.dimension_semantics<core_parallel>, #tpu.dimension_semantics<subcore_parallel>], iteration_bounds = array<i64: 2, 16>, scalar_prefetch = 0 : i64, scratch_operands = 9 : i64, tpu.core_type = #tpu.core_type<sc_vector_subcore>, window_params = [{transform_indices = #map}, {transform_indices = #map1}, {transform_indices = #map1}]} {
    %mul3A = arith.constant 640 : i32
    %mul3A_0 = arith.muli %arg1, %mul3A : i32
    %mul3A_1 = arith.constant 16 : i32
    %mul3A_2 = arith.muli %arg0, %mul3A_1 : i32
    %add3A = arith.addi %mul3A_2, %arg1 : i32
    %mul3A_3 = arith.constant 80 : i32
    %mul3A_4 = arith.muli %add3A, %mul3A_3 : i32
    "tpu.region"() ({
      %run_scoped3A = tpu.sem_alloc : memref<!tpu.dma_semaphore, #tpu.memory_space<semaphore_mem>>
      %dma_start3A_26 = arith.constant 0 : i32
      %dma_start3A_27 = tpu.memref_slice %arg9[%mul3A_0, %dma_start3A_26] : memref<10240x128xf32, #tpu.memory_space<vmem_shared>> -> memref<640x128xf32, #tpu.memory_space<vmem_shared>>
      %dma_start3A_28 = arith.constant 0 : i32
      %dma_start3A_29 = tpu.memref_slice %arg2[%mul3A_0, %dma_start3A_28] : memref<10240x128xf32, #tpu.memory_space<hbm>> -> memref<640x128xf32, #tpu.memory_space<hbm>>
      tpu.enqueue_dma source(%dma_start3A_29 : memref<640x128xf32, #tpu.memory_space<hbm>>) target(%dma_start3A_27 : memref<640x128xf32, #tpu.memory_space<vmem_shared>>) target_semaphore(%run_scoped3A : memref<!tpu.dma_semaphore, #tpu.memory_space<semaphore_mem>>)
      %dma_wait3A = arith.constant 0 : i32
      %dma_wait3A_30 = tpu.memref_slice %arg9[%mul3A_0, %dma_wait3A] : memref<10240x128xf32, #tpu.memory_space<vmem_shared>> -> memref<640x128xf32, #tpu.memory_space<vmem_shared>>
      %dma_wait3A_31 = arith.constant 0 : i32
      %dma_wait3A_32 = tpu.memref_slice %arg2[%mul3A_0, %dma_wait3A_31] : memref<10240x128xf32, #tpu.memory_space<hbm>> -> memref<640x128xf32, #tpu.memory_space<hbm>>
      tpu.wait_dma2 semaphore(%run_scoped3A : memref<!tpu.dma_semaphore, #tpu.memory_space<semaphore_mem>>) src(%dma_wait3A_32 : memref<640x128xf32, #tpu.memory_space<hbm>>) dst(%dma_wait3A_30 : memref<640x128xf32, #tpu.memory_space<vmem_shared>>)
      tpu.yield
    }) : () -> ()
    %barrier3A = arith.constant 0 : index
    tpu.barrier barrier_id(%barrier3A)
    "tpu.region"() ({
      %run_scoped3A = tpu.sem_alloc : memref<!tpu.dma_semaphore, #tpu.memory_space<semaphore_mem>>
      %dma_start3A_26 = arith.constant 0 : i32
      %dma_start3A_27 = arith.constant 0 : i32
      %dma_start3A_28 = tpu.memref_slice %arg3[%mul3A_4, %dma_start3A_26, %dma_start3A_27] : memref<2560x2x128xi32, #tpu.memory_space<hbm>> -> memref<4x2x128xi32, #tpu.memory_space<hbm>>
      %dma_start3A_29 = arith.constant 0 : i32
      %dma_start3A_30 = arith.constant 0 : i32
      %dma_start3A_31 = tpu.memref_slice %arg3[%mul3A_4, %dma_start3A_29, %dma_start3A_30] : memref<2560x2x128xi32, #tpu.memory_space<hbm>> -> memref<4x2x128xi32, #tpu.memory_space<hbm>>
      tpu.enqueue_dma source(%dma_start3A_31 : memref<4x2x128xi32, #tpu.memory_space<hbm>>) target(%arg5 : memref<4x2x128xi32, #tpu.memory_space<vmem>>) target_semaphore(%run_scoped3A : memref<!tpu.dma_semaphore, #tpu.memory_space<semaphore_mem>>)
      %dma_wait3A = arith.constant 0 : i32
      %dma_wait3A_32 = arith.constant 0 : i32
      %dma_wait3A_33 = tpu.memref_slice %arg3[%mul3A_4, %dma_wait3A, %dma_wait3A_32] : memref<2560x2x128xi32, #tpu.memory_space<hbm>> -> memref<4x2x128xi32, #tpu.memory_space<hbm>>
      %dma_wait3A_34 = arith.constant 0 : i32
      %dma_wait3A_35 = arith.constant 0 : i32
      %dma_wait3A_36 = tpu.memref_slice %arg3[%mul3A_4, %dma_wait3A_34, %dma_wait3A_35] : memref<2560x2x128xi32, #tpu.memory_space<hbm>> -> memref<4x2x128xi32, #tpu.memory_space<hbm>>
      tpu.wait_dma2 semaphore(%run_scoped3A : memref<!tpu.dma_semaphore, #tpu.memory_space<semaphore_mem>>) src(%dma_wait3A_36 : memref<4x2x128xi32, #tpu.memory_space<hbm>>) dst(%arg5 : memref<4x2x128xi32, #tpu.memory_space<vmem>>)
      tpu.yield
    }) : () -> ()
    %add3A_5 = arith.constant 4 : i32
    %add3A_6 = arith.addi %mul3A_4, %add3A_5 : i32
    %dma_start3A = arith.constant 0 : i32
    %dma_start3A_7 = arith.constant 0 : i32
    %dma_start3A_8 = tpu.memref_slice %arg3[%add3A_6, %dma_start3A, %dma_start3A_7] : memref<2560x2x128xi32, #tpu.memory_space<hbm>> -> memref<4x2x128xi32, #tpu.memory_space<hbm>>
    %dma_start3A_9 = arith.constant 0 : i32
    %dma_start3A_10 = arith.constant 0 : i32
    %dma_start3A_11 = tpu.memref_slice %arg3[%add3A_6, %dma_start3A_9, %dma_start3A_10] : memref<2560x2x128xi32, #tpu.memory_space<hbm>> -> memref<4x2x128xi32, #tpu.memory_space<hbm>>
    tpu.enqueue_dma source(%dma_start3A_11 : memref<4x2x128xi32, #tpu.memory_space<hbm>>) target(%arg6 : memref<4x2x128xi32, #tpu.memory_space<vmem>>) target_semaphore(%arg11 : memref<!tpu.dma_semaphore, #tpu.memory_space<semaphore_mem>>)
    %dma_start3A_12 = arith.constant 0 : i32
    %dma_start3A_13 = arith.constant 0 : i32
    %dma_start3A_14 = arith.constant 0 : i32
    %dma_start3A_15 = tpu.memref_slice %arg5[%dma_start3A_12, %dma_start3A_13, %dma_start3A_14] : memref<4x2x128xi32, #tpu.memory_space<vmem>> -> memref<1x1x128xi32, #tpu.memory_space<vmem>>
    %dma_start3A_16 = tpu.memref_squeeze %dma_start3A_15 : memref<1x1x128xi32, #tpu.memory_space<vmem>> -> memref<128xi32, #tpu.memory_space<vmem>>
    %dma_start3A_17 = arith.constant 0 : i32
    %dma_start3A_18 = arith.constant 0 : i32
    %dma_start3A_19 = tpu.memref_slice %arg2[%dma_start3A_17, %dma_start3A_18] : memref<10240x128xf32, #tpu.memory_space<hbm>> -> memref<10240x128xf32, #tpu.memory_space<hbm>>
    tpu.enqueue_indirect_dma source(%dma_start3A_19 : memref<10240x128xf32, #tpu.memory_space<hbm>>) target(%arg7 : memref<128x128xf32, #tpu.memory_space<vmem>>) offsets(%dma_start3A_16 : memref<128xi32, #tpu.memory_space<vmem>>) semaphore(%arg12 : memref<!tpu.dma_semaphore, #tpu.memory_space<semaphore_mem>>)
    %scan3A = arith.constant 0 : i32
    %scan3A_20 = arith.constant 0 : i32
    %scan3A_21 = arith.constant 10 : i32
    %scan3A_22 = arith.addi %scan3A_20, %scan3A_21 : i32
    %scan3A_23 = arith.constant 1 : i32
    scf.for %scan3A_26 = %scan3A_20 to %scan3A_22 step %scan3A_23  : i32 {
      %mul3A_27 = arith.constant 2 : i32
      %mul3A_28 = arith.muli %mul3A_27, %scan3A_26 : i32
      %mul3A_29 = arith.constant 4 : i32
      %mul3A_30 = arith.muli %mul3A_28, %mul3A_29 : i32
      %add3A_31 = arith.addi %mul3A_4, %mul3A_30 : i32
      %gt3A = arith.constant 0 : i32
      %gt3A_32 = arith.cmpi sgt, %scan3A_26, %gt3A : i32
      %convert_element_type3A = arith.extui %gt3A_32 : i1 to i32
      %cond3A = arith.constant 0 : i32
      %cond3A_33 = arith.cmpi ne, %convert_element_type3A, %cond3A : i32
      scf.if %cond3A_33 {
        %add3A_185 = arith.constant 4 : i32
        %add3A_186 = arith.addi %add3A_31, %add3A_185 : i32
        %dma_start3A_187 = arith.constant 0 : i32
        %dma_start3A_188 = arith.constant 0 : i32
        %dma_start3A_189 = tpu.memref_slice %arg3[%add3A_186, %dma_start3A_187, %dma_start3A_188] : memref<2560x2x128xi32, #tpu.memory_space<hbm>> -> memref<4x2x128xi32, #tpu.memory_space<hbm>>
        %dma_start3A_190 = arith.constant 0 : i32
        %dma_start3A_191 = arith.constant 0 : i32
        %dma_start3A_192 = tpu.memref_slice %arg3[%add3A_186, %dma_start3A_190, %dma_start3A_191] : memref<2560x2x128xi32, #tpu.memory_space<hbm>> -> memref<4x2x128xi32, #tpu.memory_space<hbm>>
        tpu.enqueue_dma source(%dma_start3A_192 : memref<4x2x128xi32, #tpu.memory_space<hbm>>) target(%arg6 : memref<4x2x128xi32, #tpu.memory_space<vmem>>) target_semaphore(%arg11 : memref<!tpu.dma_semaphore, #tpu.memory_space<semaphore_mem>>)
      } else {
      }
      %dma_wait3A = arith.constant 0 : i32
      %dma_wait3A_34 = arith.constant 0 : i32
      %dma_wait3A_35 = arith.constant 0 : i32
      %dma_wait3A_36 = tpu.memref_slice %arg5[%dma_wait3A, %dma_wait3A_34, %dma_wait3A_35] : memref<4x2x128xi32, #tpu.memory_space<vmem>> -> memref<1x1x128xi32, #tpu.memory_space<vmem>>
      %dma_wait3A_37 = tpu.memref_squeeze %dma_wait3A_36 : memref<1x1x128xi32, #tpu.memory_space<vmem>> -> memref<128xi32, #tpu.memory_space<vmem>>
      %dma_wait3A_38 = arith.constant 0 : i32
      %dma_wait3A_39 = arith.constant 0 : i32
      %dma_wait3A_40 = tpu.memref_slice %arg2[%dma_wait3A_38, %dma_wait3A_39] : memref<10240x128xf32, #tpu.memory_space<hbm>> -> memref<10240x128xf32, #tpu.memory_space<hbm>>
      tpu.wait_indirect_dma semaphore(%arg12 : memref<!tpu.dma_semaphore, #tpu.memory_space<semaphore_mem>>) src(%dma_wait3A_40 : memref<10240x128xf32, #tpu.memory_space<hbm>>) dst(%arg7 : memref<128x128xf32, #tpu.memory_space<vmem>>)
      %dma_start3A_41 = arith.constant 1 : i32
      %dma_start3A_42 = arith.constant 0 : i32
      %dma_start3A_43 = arith.constant 0 : i32
      %dma_start3A_44 = tpu.memref_slice %arg5[%dma_start3A_41, %dma_start3A_42, %dma_start3A_43] : memref<4x2x128xi32, #tpu.memory_space<vmem>> -> memref<1x1x128xi32, #tpu.memory_space<vmem>>
      %dma_start3A_45 = tpu.memref_squeeze %dma_start3A_44 : memref<1x1x128xi32, #tpu.memory_space<vmem>> -> memref<128xi32, #tpu.memory_space<vmem>>
      %dma_start3A_46 = arith.constant 0 : i32
      %dma_start3A_47 = arith.constant 0 : i32
      %dma_start3A_48 = tpu.memref_slice %arg2[%dma_start3A_46, %dma_start3A_47] : memref<10240x128xf32, #tpu.memory_space<hbm>> -> memref<10240x128xf32, #tpu.memory_space<hbm>>
      tpu.enqueue_indirect_dma source(%dma_start3A_48 : memref<10240x128xf32, #tpu.memory_space<hbm>>) target(%arg8 : memref<128x128xf32, #tpu.memory_space<vmem>>) offsets(%dma_start3A_45 : memref<128xi32, #tpu.memory_space<vmem>>) semaphore(%arg13 : memref<!tpu.dma_semaphore, #tpu.memory_space<semaphore_mem>>)
      %run_scoped3A = arith.constant 0 : i32
      %run_scoped3A_49 = arith.constant 1 : i32
      "tpu.region"() ({
        %run_scoped3A_185 = tpu.sem_alloc : memref<!tpu.dma_semaphore, #tpu.memory_space<semaphore_mem>>
        %dma_start3A_186 = arith.constant 0 : i32
        %dma_start3A_187 = tpu.memref_slice %arg5[%run_scoped3A, %run_scoped3A_49, %dma_start3A_186] : memref<4x2x128xi32, #tpu.memory_space<vmem>> -> memref<1x1x128xi32, #tpu.memory_space<vmem>>
        %dma_start3A_188 = tpu.memref_squeeze %dma_start3A_187 : memref<1x1x128xi32, #tpu.memory_space<vmem>> -> memref<128xi32, #tpu.memory_space<vmem>>
        %dma_start3A_189 = arith.constant 0 : i32
        %dma_start3A_190 = arith.constant 0 : i32
        %dma_start3A_191 = tpu.memref_slice %arg9[%dma_start3A_189, %dma_start3A_190] : memref<10240x128xf32, #tpu.memory_space<vmem_shared>> -> memref<10240x128xf32, #tpu.memory_space<vmem_shared>>
        tpu.enqueue_indirect_dma source(%arg7 : memref<128x128xf32, #tpu.memory_space<vmem>>) target(%dma_start3A_191 : memref<10240x128xf32, #tpu.memory_space<vmem_shared>>) offsets(%dma_start3A_188 : memref<128xi32, #tpu.memory_space<vmem>>) semaphore(%run_scoped3A_185 : memref<!tpu.dma_semaphore, #tpu.memory_space<semaphore_mem>>) {add = true}
        %dma_wait3A_192 = arith.constant 0 : i32
        %dma_wait3A_193 = tpu.memref_slice %arg5[%run_scoped3A, %run_scoped3A_49, %dma_wait3A_192] : memref<4x2x128xi32, #tpu.memory_space<vmem>> -> memref<1x1x128xi32, #tpu.memory_space<vmem>>
        %dma_wait3A_194 = tpu.memref_squeeze %dma_wait3A_193 : memref<1x1x128xi32, #tpu.memory_space<vmem>> -> memref<128xi32, #tpu.memory_space<vmem>>
        %dma_wait3A_195 = arith.constant 0 : i32
        %dma_wait3A_196 = arith.constant 0 : i32
        %dma_wait3A_197 = tpu.memref_slice %arg9[%dma_wait3A_195, %dma_wait3A_196] : memref<10240x128xf32, #tpu.memory_space<vmem_shared>> -> memref<10240x128xf32, #tpu.memory_space<vmem_shared>>
        tpu.wait_indirect_dma semaphore(%run_scoped3A_185 : memref<!tpu.dma_semaphore, #tpu.memory_space<semaphore_mem>>) src(%arg7 : memref<128x128xf32, #tpu.memory_space<vmem>>) dst(%dma_wait3A_197 : memref<10240x128xf32, #tpu.memory_space<vmem_shared>>)
        tpu.yield
      }) : () -> ()
      %dma_wait3A_50 = arith.constant 1 : i32
      %dma_wait3A_51 = arith.constant 0 : i32
      %dma_wait3A_52 = arith.constant 0 : i32
      %dma_wait3A_53 = tpu.memref_slice %arg5[%dma_wait3A_50, %dma_wait3A_51, %dma_wait3A_52] : memref<4x2x128xi32, #tpu.memory_space<vmem>> -> memref<1x1x128xi32, #tpu.memory_space<vmem>>
      %dma_wait3A_54 = tpu.memref_squeeze %dma_wait3A_53 : memref<1x1x128xi32, #tpu.memory_space<vmem>> -> memref<128xi32, #tpu.memory_space<vmem>>
      %dma_wait3A_55 = arith.constant 0 : i32
      %dma_wait3A_56 = arith.constant 0 : i32
      %dma_wait3A_57 = tpu.memref_slice %arg2[%dma_wait3A_55, %dma_wait3A_56] : memref<10240x128xf32, #tpu.memory_space<hbm>> -> memref<10240x128xf32, #tpu.memory_space<hbm>>
      tpu.wait_indirect_dma semaphore(%arg13 : memref<!tpu.dma_semaphore, #tpu.memory_space<semaphore_mem>>) src(%dma_wait3A_57 : memref<10240x128xf32, #tpu.memory_space<hbm>>) dst(%arg8 : memref<128x128xf32, #tpu.memory_space<vmem>>)
      %dma_start3A_58 = arith.constant 2 : i32
      %dma_start3A_59 = arith.constant 0 : i32
      %dma_start3A_60 = arith.constant 0 : i32
      %dma_start3A_61 = tpu.memref_slice %arg5[%dma_start3A_58, %dma_start3A_59, %dma_start3A_60] : memref<4x2x128xi32, #tpu.memory_space<vmem>> -> memref<1x1x128xi32, #tpu.memory_space<vmem>>
      %dma_start3A_62 = tpu.memref_squeeze %dma_start3A_61 : memref<1x1x128xi32, #tpu.memory_space<vmem>> -> memref<128xi32, #tpu.memory_space<vmem>>
      %dma_start3A_63 = arith.constant 0 : i32
      %dma_start3A_64 = arith.constant 0 : i32
      %dma_start3A_65 = tpu.memref_slice %arg2[%dma_start3A_63, %dma_start3A_64] : memref<10240x128xf32, #tpu.memory_space<hbm>> -> memref<10240x128xf32, #tpu.memory_space<hbm>>
      tpu.enqueue_indirect_dma source(%dma_start3A_65 : memref<10240x128xf32, #tpu.memory_space<hbm>>) target(%arg7 : memref<128x128xf32, #tpu.memory_space<vmem>>) offsets(%dma_start3A_62 : memref<128xi32, #tpu.memory_space<vmem>>) semaphore(%arg12 : memref<!tpu.dma_semaphore, #tpu.memory_space<semaphore_mem>>)
      %run_scoped3A_66 = arith.constant 1 : i32
      %run_scoped3A_67 = arith.constant 1 : i32
      "tpu.region"() ({
        %run_scoped3A_185 = tpu.sem_alloc : memref<!tpu.dma_semaphore, #tpu.memory_space<semaphore_mem>>
        %dma_start3A_186 = arith.constant 0 : i32
        %dma_start3A_187 = tpu.memref_slice %arg5[%run_scoped3A_66, %run_scoped3A_67, %dma_start3A_186] : memref<4x2x128xi32, #tpu.memory_space<vmem>> -> memref<1x1x128xi32, #tpu.memory_space<vmem>>
        %dma_start3A_188 = tpu.memref_squeeze %dma_start3A_187 : memref<1x1x128xi32, #tpu.memory_space<vmem>> -> memref<128xi32, #tpu.memory_space<vmem>>
        %dma_start3A_189 = arith.constant 0 : i32
        %dma_start3A_190 = arith.constant 0 : i32
        %dma_start3A_191 = tpu.memref_slice %arg9[%dma_start3A_189, %dma_start3A_190] : memref<10240x128xf32, #tpu.memory_space<vmem_shared>> -> memref<10240x128xf32, #tpu.memory_space<vmem_shared>>
        tpu.enqueue_indirect_dma source(%arg8 : memref<128x128xf32, #tpu.memory_space<vmem>>) target(%dma_start3A_191 : memref<10240x128xf32, #tpu.memory_space<vmem_shared>>) offsets(%dma_start3A_188 : memref<128xi32, #tpu.memory_space<vmem>>) semaphore(%run_scoped3A_185 : memref<!tpu.dma_semaphore, #tpu.memory_space<semaphore_mem>>) {add = true}
        %dma_wait3A_192 = arith.constant 0 : i32
        %dma_wait3A_193 = tpu.memref_slice %arg5[%run_scoped3A_66, %run_scoped3A_67, %dma_wait3A_192] : memref<4x2x128xi32, #tpu.memory_space<vmem>> -> memref<1x1x128xi32, #tpu.memory_space<vmem>>
        %dma_wait3A_194 = tpu.memref_squeeze %dma_wait3A_193 : memref<1x1x128xi32, #tpu.memory_space<vmem>> -> memref<128xi32, #tpu.memory_space<vmem>>
        %dma_wait3A_195 = arith.constant 0 : i32
        %dma_wait3A_196 = arith.constant 0 : i32
        %dma_wait3A_197 = tpu.memref_slice %arg9[%dma_wait3A_195, %dma_wait3A_196] : memref<10240x128xf32, #tpu.memory_space<vmem_shared>> -> memref<10240x128xf32, #tpu.memory_space<vmem_shared>>
        tpu.wait_indirect_dma semaphore(%run_scoped3A_185 : memref<!tpu.dma_semaphore, #tpu.memory_space<semaphore_mem>>) src(%arg8 : memref<128x128xf32, #tpu.memory_space<vmem>>) dst(%dma_wait3A_197 : memref<10240x128xf32, #tpu.memory_space<vmem_shared>>)
        tpu.yield
      }) : () -> ()
      %dma_wait3A_68 = arith.constant 2 : i32
      %dma_wait3A_69 = arith.constant 0 : i32
      %dma_wait3A_70 = arith.constant 0 : i32
      %dma_wait3A_71 = tpu.memref_slice %arg5[%dma_wait3A_68, %dma_wait3A_69, %dma_wait3A_70] : memref<4x2x128xi32, #tpu.memory_space<vmem>> -> memref<1x1x128xi32, #tpu.memory_space<vmem>>
      %dma_wait3A_72 = tpu.memref_squeeze %dma_wait3A_71 : memref<1x1x128xi32, #tpu.memory_space<vmem>> -> memref<128xi32, #tpu.memory_space<vmem>>
      %dma_wait3A_73 = arith.constant 0 : i32
      %dma_wait3A_74 = arith.constant 0 : i32
      %dma_wait3A_75 = tpu.memref_slice %arg2[%dma_wait3A_73, %dma_wait3A_74] : memref<10240x128xf32, #tpu.memory_space<hbm>> -> memref<10240x128xf32, #tpu.memory_space<hbm>>
      tpu.wait_indirect_dma semaphore(%arg12 : memref<!tpu.dma_semaphore, #tpu.memory_space<semaphore_mem>>) src(%dma_wait3A_75 : memref<10240x128xf32, #tpu.memory_space<hbm>>) dst(%arg7 : memref<128x128xf32, #tpu.memory_space<vmem>>)
      %dma_start3A_76 = arith.constant 3 : i32
      %dma_start3A_77 = arith.constant 0 : i32
      %dma_start3A_78 = arith.constant 0 : i32
      %dma_start3A_79 = tpu.memref_slice %arg5[%dma_start3A_76, %dma_start3A_77, %dma_start3A_78] : memref<4x2x128xi32, #tpu.memory_space<vmem>> -> memref<1x1x128xi32, #tpu.memory_space<vmem>>
      %dma_start3A_80 = tpu.memref_squeeze %dma_start3A_79 : memref<1x1x128xi32, #tpu.memory_space<vmem>> -> memref<128xi32, #tpu.memory_space<vmem>>
      %dma_start3A_81 = arith.constant 0 : i32
      %dma_start3A_82 = arith.constant 0 : i32
      %dma_start3A_83 = tpu.memref_slice %arg2[%dma_start3A_81, %dma_start3A_82] : memref<10240x128xf32, #tpu.memory_space<hbm>> -> memref<10240x128xf32, #tpu.memory_space<hbm>>
      tpu.enqueue_indirect_dma source(%dma_start3A_83 : memref<10240x128xf32, #tpu.memory_space<hbm>>) target(%arg8 : memref<128x128xf32, #tpu.memory_space<vmem>>) offsets(%dma_start3A_80 : memref<128xi32, #tpu.memory_space<vmem>>) semaphore(%arg13 : memref<!tpu.dma_semaphore, #tpu.memory_space<semaphore_mem>>)
      %run_scoped3A_84 = arith.constant 2 : i32
      %run_scoped3A_85 = arith.constant 1 : i32
      "tpu.region"() ({
        %run_scoped3A_185 = tpu.sem_alloc : memref<!tpu.dma_semaphore, #tpu.memory_space<semaphore_mem>>
        %dma_start3A_186 = arith.constant 0 : i32
        %dma_start3A_187 = tpu.memref_slice %arg5[%run_scoped3A_84, %run_scoped3A_85, %dma_start3A_186] : memref<4x2x128xi32, #tpu.memory_space<vmem>> -> memref<1x1x128xi32, #tpu.memory_space<vmem>>
        %dma_start3A_188 = tpu.memref_squeeze %dma_start3A_187 : memref<1x1x128xi32, #tpu.memory_space<vmem>> -> memref<128xi32, #tpu.memory_space<vmem>>
        %dma_start3A_189 = arith.constant 0 : i32
        %dma_start3A_190 = arith.constant 0 : i32
        %dma_start3A_191 = tpu.memref_slice %arg9[%dma_start3A_189, %dma_start3A_190] : memref<10240x128xf32, #tpu.memory_space<vmem_shared>> -> memref<10240x128xf32, #tpu.memory_space<vmem_shared>>
        tpu.enqueue_indirect_dma source(%arg7 : memref<128x128xf32, #tpu.memory_space<vmem>>) target(%dma_start3A_191 : memref<10240x128xf32, #tpu.memory_space<vmem_shared>>) offsets(%dma_start3A_188 : memref<128xi32, #tpu.memory_space<vmem>>) semaphore(%run_scoped3A_185 : memref<!tpu.dma_semaphore, #tpu.memory_space<semaphore_mem>>) {add = true}
        %dma_wait3A_192 = arith.constant 0 : i32
        %dma_wait3A_193 = tpu.memref_slice %arg5[%run_scoped3A_84, %run_scoped3A_85, %dma_wait3A_192] : memref<4x2x128xi32, #tpu.memory_space<vmem>> -> memref<1x1x128xi32, #tpu.memory_space<vmem>>
        %dma_wait3A_194 = tpu.memref_squeeze %dma_wait3A_193 : memref<1x1x128xi32, #tpu.memory_space<vmem>> -> memref<128xi32, #tpu.memory_space<vmem>>
        %dma_wait3A_195 = arith.constant 0 : i32
        %dma_wait3A_196 = arith.constant 0 : i32
        %dma_wait3A_197 = tpu.memref_slice %arg9[%dma_wait3A_195, %dma_wait3A_196] : memref<10240x128xf32, #tpu.memory_space<vmem_shared>> -> memref<10240x128xf32, #tpu.memory_space<vmem_shared>>
        tpu.wait_indirect_dma semaphore(%run_scoped3A_185 : memref<!tpu.dma_semaphore, #tpu.memory_space<semaphore_mem>>) src(%arg7 : memref<128x128xf32, #tpu.memory_space<vmem>>) dst(%dma_wait3A_197 : memref<10240x128xf32, #tpu.memory_space<vmem_shared>>)
        tpu.yield
      }) : () -> ()
      %dma_wait3A_86 = arith.constant 3 : i32
      %dma_wait3A_87 = arith.constant 0 : i32
      %dma_wait3A_88 = arith.constant 0 : i32
      %dma_wait3A_89 = tpu.memref_slice %arg5[%dma_wait3A_86, %dma_wait3A_87, %dma_wait3A_88] : memref<4x2x128xi32, #tpu.memory_space<vmem>> -> memref<1x1x128xi32, #tpu.memory_space<vmem>>
      %dma_wait3A_90 = tpu.memref_squeeze %dma_wait3A_89 : memref<1x1x128xi32, #tpu.memory_space<vmem>> -> memref<128xi32, #tpu.memory_space<vmem>>
      %dma_wait3A_91 = arith.constant 0 : i32
      %dma_wait3A_92 = arith.constant 0 : i32
      %dma_wait3A_93 = tpu.memref_slice %arg2[%dma_wait3A_91, %dma_wait3A_92] : memref<10240x128xf32, #tpu.memory_space<hbm>> -> memref<10240x128xf32, #tpu.memory_space<hbm>>
      tpu.wait_indirect_dma semaphore(%arg13 : memref<!tpu.dma_semaphore, #tpu.memory_space<semaphore_mem>>) src(%dma_wait3A_93 : memref<10240x128xf32, #tpu.memory_space<hbm>>) dst(%arg8 : memref<128x128xf32, #tpu.memory_space<vmem>>)
      %add3A_94 = arith.constant 4 : i32
      %add3A_95 = arith.addi %add3A_31, %add3A_94 : i32
      %dma_wait3A_96 = arith.constant 0 : i32
      %dma_wait3A_97 = arith.constant 0 : i32
      %dma_wait3A_98 = tpu.memref_slice %arg3[%add3A_95, %dma_wait3A_96, %dma_wait3A_97] : memref<2560x2x128xi32, #tpu.memory_space<hbm>> -> memref<4x2x128xi32, #tpu.memory_space<hbm>>
      %dma_wait3A_99 = arith.constant 0 : i32
      %dma_wait3A_100 = arith.constant 0 : i32
      %dma_wait3A_101 = tpu.memref_slice %arg3[%add3A_95, %dma_wait3A_99, %dma_wait3A_100] : memref<2560x2x128xi32, #tpu.memory_space<hbm>> -> memref<4x2x128xi32, #tpu.memory_space<hbm>>
      tpu.wait_dma2 semaphore(%arg11 : memref<!tpu.dma_semaphore, #tpu.memory_space<semaphore_mem>>) src(%dma_wait3A_101 : memref<4x2x128xi32, #tpu.memory_space<hbm>>) dst(%arg6 : memref<4x2x128xi32, #tpu.memory_space<vmem>>)
      %dma_start3A_102 = arith.constant 0 : i32
      %dma_start3A_103 = arith.constant 0 : i32
      %dma_start3A_104 = arith.constant 0 : i32
      %dma_start3A_105 = tpu.memref_slice %arg6[%dma_start3A_102, %dma_start3A_103, %dma_start3A_104] : memref<4x2x128xi32, #tpu.memory_space<vmem>> -> memref<1x1x128xi32, #tpu.memory_space<vmem>>
      %dma_start3A_106 = tpu.memref_squeeze %dma_start3A_105 : memref<1x1x128xi32, #tpu.memory_space<vmem>> -> memref<128xi32, #tpu.memory_space<vmem>>
      %dma_start3A_107 = arith.constant 0 : i32
      %dma_start3A_108 = arith.constant 0 : i32
      %dma_start3A_109 = tpu.memref_slice %arg2[%dma_start3A_107, %dma_start3A_108] : memref<10240x128xf32, #tpu.memory_space<hbm>> -> memref<10240x128xf32, #tpu.memory_space<hbm>>
      tpu.enqueue_indirect_dma source(%dma_start3A_109 : memref<10240x128xf32, #tpu.memory_space<hbm>>) target(%arg7 : memref<128x128xf32, #tpu.memory_space<vmem>>) offsets(%dma_start3A_106 : memref<128xi32, #tpu.memory_space<vmem>>) semaphore(%arg12 : memref<!tpu.dma_semaphore, #tpu.memory_space<semaphore_mem>>)
      %run_scoped3A_110 = arith.constant 3 : i32
      %run_scoped3A_111 = arith.constant 1 : i32
      "tpu.region"() ({
        %run_scoped3A_185 = tpu.sem_alloc : memref<!tpu.dma_semaphore, #tpu.memory_space<semaphore_mem>>
        %dma_start3A_186 = arith.constant 0 : i32
        %dma_start3A_187 = tpu.memref_slice %arg5[%run_scoped3A_110, %run_scoped3A_111, %dma_start3A_186] : memref<4x2x128xi32, #tpu.memory_space<vmem>> -> memref<1x1x128xi32, #tpu.memory_space<vmem>>
        %dma_start3A_188 = tpu.memref_squeeze %dma_start3A_187 : memref<1x1x128xi32, #tpu.memory_space<vmem>> -> memref<128xi32, #tpu.memory_space<vmem>>
        %dma_start3A_189 = arith.constant 0 : i32
        %dma_start3A_190 = arith.constant 0 : i32
        %dma_start3A_191 = tpu.memref_slice %arg9[%dma_start3A_189, %dma_start3A_190] : memref<10240x128xf32, #tpu.memory_space<vmem_shared>> -> memref<10240x128xf32, #tpu.memory_space<vmem_shared>>
        tpu.enqueue_indirect_dma source(%arg8 : memref<128x128xf32, #tpu.memory_space<vmem>>) target(%dma_start3A_191 : memref<10240x128xf32, #tpu.memory_space<vmem_shared>>) offsets(%dma_start3A_188 : memref<128xi32, #tpu.memory_space<vmem>>) semaphore(%run_scoped3A_185 : memref<!tpu.dma_semaphore, #tpu.memory_space<semaphore_mem>>) {add = true}
        %dma_wait3A_192 = arith.constant 0 : i32
        %dma_wait3A_193 = tpu.memref_slice %arg5[%run_scoped3A_110, %run_scoped3A_111, %dma_wait3A_192] : memref<4x2x128xi32, #tpu.memory_space<vmem>> -> memref<1x1x128xi32, #tpu.memory_space<vmem>>
        %dma_wait3A_194 = tpu.memref_squeeze %dma_wait3A_193 : memref<1x1x128xi32, #tpu.memory_space<vmem>> -> memref<128xi32, #tpu.memory_space<vmem>>
        %dma_wait3A_195 = arith.constant 0 : i32
        %dma_wait3A_196 = arith.constant 0 : i32
        %dma_wait3A_197 = tpu.memref_slice %arg9[%dma_wait3A_195, %dma_wait3A_196] : memref<10240x128xf32, #tpu.memory_space<vmem_shared>> -> memref<10240x128xf32, #tpu.memory_space<vmem_shared>>
        tpu.wait_indirect_dma semaphore(%run_scoped3A_185 : memref<!tpu.dma_semaphore, #tpu.memory_space<semaphore_mem>>) src(%arg8 : memref<128x128xf32, #tpu.memory_space<vmem>>) dst(%dma_wait3A_197 : memref<10240x128xf32, #tpu.memory_space<vmem_shared>>)
        tpu.yield
      }) : () -> ()
      %dma_wait3A_112 = arith.constant 0 : i32
      %dma_wait3A_113 = arith.constant 0 : i32
      %dma_wait3A_114 = arith.constant 0 : i32
      %dma_wait3A_115 = tpu.memref_slice %arg6[%dma_wait3A_112, %dma_wait3A_113, %dma_wait3A_114] : memref<4x2x128xi32, #tpu.memory_space<vmem>> -> memref<1x1x128xi32, #tpu.memory_space<vmem>>
      %dma_wait3A_116 = tpu.memref_squeeze %dma_wait3A_115 : memref<1x1x128xi32, #tpu.memory_space<vmem>> -> memref<128xi32, #tpu.memory_space<vmem>>
      %dma_wait3A_117 = arith.constant 0 : i32
      %dma_wait3A_118 = arith.constant 0 : i32
      %dma_wait3A_119 = tpu.memref_slice %arg2[%dma_wait3A_117, %dma_wait3A_118] : memref<10240x128xf32, #tpu.memory_space<hbm>> -> memref<10240x128xf32, #tpu.memory_space<hbm>>
      tpu.wait_indirect_dma semaphore(%arg12 : memref<!tpu.dma_semaphore, #tpu.memory_space<semaphore_mem>>) src(%dma_wait3A_119 : memref<10240x128xf32, #tpu.memory_space<hbm>>) dst(%arg7 : memref<128x128xf32, #tpu.memory_space<vmem>>)
      %lt3A = arith.constant 9 : i32
      %lt3A_120 = arith.cmpi slt, %scan3A_26, %lt3A : i32
      %convert_element_type3A_121 = arith.extui %lt3A_120 : i1 to i32
      %cond3A_122 = arith.constant 0 : i32
      %cond3A_123 = arith.cmpi ne, %convert_element_type3A_121, %cond3A_122 : i32
      scf.if %cond3A_123 {
        %add3A_185 = arith.constant 8 : i32
        %add3A_186 = arith.addi %add3A_31, %add3A_185 : i32
        %dma_start3A_187 = arith.constant 0 : i32
        %dma_start3A_188 = arith.constant 0 : i32
        %dma_start3A_189 = tpu.memref_slice %arg3[%add3A_186, %dma_start3A_187, %dma_start3A_188] : memref<2560x2x128xi32, #tpu.memory_space<hbm>> -> memref<4x2x128xi32, #tpu.memory_space<hbm>>
        %dma_start3A_190 = arith.constant 0 : i32
        %dma_start3A_191 = arith.constant 0 : i32
        %dma_start3A_192 = tpu.memref_slice %arg3[%add3A_186, %dma_start3A_190, %dma_start3A_191] : memref<2560x2x128xi32, #tpu.memory_space<hbm>> -> memref<4x2x128xi32, #tpu.memory_space<hbm>>
        tpu.enqueue_dma source(%dma_start3A_192 : memref<4x2x128xi32, #tpu.memory_space<hbm>>) target(%arg5 : memref<4x2x128xi32, #tpu.memory_space<vmem>>) target_semaphore(%arg10 : memref<!tpu.dma_semaphore, #tpu.memory_space<semaphore_mem>>)
      } else {
      }
      %dma_start3A_124 = arith.constant 1 : i32
      %dma_start3A_125 = arith.constant 0 : i32
      %dma_start3A_126 = arith.constant 0 : i32
      %dma_start3A_127 = tpu.memref_slice %arg6[%dma_start3A_124, %dma_start3A_125, %dma_start3A_126] : memref<4x2x128xi32, #tpu.memory_space<vmem>> -> memref<1x1x128xi32, #tpu.memory_space<vmem>>
      %dma_start3A_128 = tpu.memref_squeeze %dma_start3A_127 : memref<1x1x128xi32, #tpu.memory_space<vmem>> -> memref<128xi32, #tpu.memory_space<vmem>>
      %dma_start3A_129 = arith.constant 0 : i32
      %dma_start3A_130 = arith.constant 0 : i32
      %dma_start3A_131 = tpu.memref_slice %arg2[%dma_start3A_129, %dma_start3A_130] : memref<10240x128xf32, #tpu.memory_space<hbm>> -> memref<10240x128xf32, #tpu.memory_space<hbm>>
      tpu.enqueue_indirect_dma source(%dma_start3A_131 : memref<10240x128xf32, #tpu.memory_space<hbm>>) target(%arg8 : memref<128x128xf32, #tpu.memory_space<vmem>>) offsets(%dma_start3A_128 : memref<128xi32, #tpu.memory_space<vmem>>) semaphore(%arg13 : memref<!tpu.dma_semaphore, #tpu.memory_space<semaphore_mem>>)
      %run_scoped3A_132 = arith.constant 0 : i32
      %run_scoped3A_133 = arith.constant 1 : i32
      "tpu.region"() ({
        %run_scoped3A_185 = tpu.sem_alloc : memref<!tpu.dma_semaphore, #tpu.memory_space<semaphore_mem>>
        %dma_start3A_186 = arith.constant 0 : i32
        %dma_start3A_187 = tpu.memref_slice %arg6[%run_scoped3A_132, %run_scoped3A_133, %dma_start3A_186] : memref<4x2x128xi32, #tpu.memory_space<vmem>> -> memref<1x1x128xi32, #tpu.memory_space<vmem>>
        %dma_start3A_188 = tpu.memref_squeeze %dma_start3A_187 : memref<1x1x128xi32, #tpu.memory_space<vmem>> -> memref<128xi32, #tpu.memory_space<vmem>>
        %dma_start3A_189 = arith.constant 0 : i32
        %dma_start3A_190 = arith.constant 0 : i32
        %dma_start3A_191 = tpu.memref_slice %arg9[%dma_start3A_189, %dma_start3A_190] : memref<10240x128xf32, #tpu.memory_space<vmem_shared>> -> memref<10240x128xf32, #tpu.memory_space<vmem_shared>>
        tpu.enqueue_indirect_dma source(%arg7 : memref<128x128xf32, #tpu.memory_space<vmem>>) target(%dma_start3A_191 : memref<10240x128xf32, #tpu.memory_space<vmem_shared>>) offsets(%dma_start3A_188 : memref<128xi32, #tpu.memory_space<vmem>>) semaphore(%run_scoped3A_185 : memref<!tpu.dma_semaphore, #tpu.memory_space<semaphore_mem>>) {add = true}
        %dma_wait3A_192 = arith.constant 0 : i32
        %dma_wait3A_193 = tpu.memref_slice %arg6[%run_scoped3A_132, %run_scoped3A_133, %dma_wait3A_192] : memref<4x2x128xi32, #tpu.memory_space<vmem>> -> memref<1x1x128xi32, #tpu.memory_space<vmem>>
        %dma_wait3A_194 = tpu.memref_squeeze %dma_wait3A_193 : memref<1x1x128xi32, #tpu.memory_space<vmem>> -> memref<128xi32, #tpu.memory_space<vmem>>
        %dma_wait3A_195 = arith.constant 0 : i32
        %dma_wait3A_196 = arith.constant 0 : i32
        %dma_wait3A_197 = tpu.memref_slice %arg9[%dma_wait3A_195, %dma_wait3A_196] : memref<10240x128xf32, #tpu.memory_space<vmem_shared>> -> memref<10240x128xf32, #tpu.memory_space<vmem_shared>>
        tpu.wait_indirect_dma semaphore(%run_scoped3A_185 : memref<!tpu.dma_semaphore, #tpu.memory_space<semaphore_mem>>) src(%arg7 : memref<128x128xf32, #tpu.memory_space<vmem>>) dst(%dma_wait3A_197 : memref<10240x128xf32, #tpu.memory_space<vmem_shared>>)
        tpu.yield
      }) : () -> ()
      %dma_wait3A_134 = arith.constant 1 : i32
      %dma_wait3A_135 = arith.constant 0 : i32
      %dma_wait3A_136 = arith.constant 0 : i32
      %dma_wait3A_137 = tpu.memref_slice %arg6[%dma_wait3A_134, %dma_wait3A_135, %dma_wait3A_136] : memref<4x2x128xi32, #tpu.memory_space<vmem>> -> memref<1x1x128xi32, #tpu.memory_space<vmem>>
      %dma_wait3A_138 = tpu.memref_squeeze %dma_wait3A_137 : memref<1x1x128xi32, #tpu.memory_space<vmem>> -> memref<128xi32, #tpu.memory_space<vmem>>
      %dma_wait3A_139 = arith.constant 0 : i32
      %dma_wait3A_140 = arith.constant 0 : i32
      %dma_wait3A_141 = tpu.memref_slice %arg2[%dma_wait3A_139, %dma_wait3A_140] : memref<10240x128xf32, #tpu.memory_space<hbm>> -> memref<10240x128xf32, #tpu.memory_space<hbm>>
      tpu.wait_indirect_dma semaphore(%arg13 : memref<!tpu.dma_semaphore, #tpu.memory_space<semaphore_mem>>) src(%dma_wait3A_141 : memref<10240x128xf32, #tpu.memory_space<hbm>>) dst(%arg8 : memref<128x128xf32, #tpu.memory_space<vmem>>)
      %dma_start3A_142 = arith.constant 2 : i32
      %dma_start3A_143 = arith.constant 0 : i32
      %dma_start3A_144 = arith.constant 0 : i32
      %dma_start3A_145 = tpu.memref_slice %arg6[%dma_start3A_142, %dma_start3A_143, %dma_start3A_144] : memref<4x2x128xi32, #tpu.memory_space<vmem>> -> memref<1x1x128xi32, #tpu.memory_space<vmem>>
      %dma_start3A_146 = tpu.memref_squeeze %dma_start3A_145 : memref<1x1x128xi32, #tpu.memory_space<vmem>> -> memref<128xi32, #tpu.memory_space<vmem>>
      %dma_start3A_147 = arith.constant 0 : i32
      %dma_start3A_148 = arith.constant 0 : i32
      %dma_start3A_149 = tpu.memref_slice %arg2[%dma_start3A_147, %dma_start3A_148] : memref<10240x128xf32, #tpu.memory_space<hbm>> -> memref<10240x128xf32, #tpu.memory_space<hbm>>
      tpu.enqueue_indirect_dma source(%dma_start3A_149 : memref<10240x128xf32, #tpu.memory_space<hbm>>) target(%arg7 : memref<128x128xf32, #tpu.memory_space<vmem>>) offsets(%dma_start3A_146 : memref<128xi32, #tpu.memory_space<vmem>>) semaphore(%arg12 : memref<!tpu.dma_semaphore, #tpu.memory_space<semaphore_mem>>)
      %run_scoped3A_150 = arith.constant 1 : i32
      %run_scoped3A_151 = arith.constant 1 : i32
      "tpu.region"() ({
        %run_scoped3A_185 = tpu.sem_alloc : memref<!tpu.dma_semaphore, #tpu.memory_space<semaphore_mem>>
        %dma_start3A_186 = arith.constant 0 : i32
        %dma_start3A_187 = tpu.memref_slice %arg6[%run_scoped3A_150, %run_scoped3A_151, %dma_start3A_186] : memref<4x2x128xi32, #tpu.memory_space<vmem>> -> memref<1x1x128xi32, #tpu.memory_space<vmem>>
        %dma_start3A_188 = tpu.memref_squeeze %dma_start3A_187 : memref<1x1x128xi32, #tpu.memory_space<vmem>> -> memref<128xi32, #tpu.memory_space<vmem>>
        %dma_start3A_189 = arith.constant 0 : i32
        %dma_start3A_190 = arith.constant 0 : i32
        %dma_start3A_191 = tpu.memref_slice %arg9[%dma_start3A_189, %dma_start3A_190] : memref<10240x128xf32, #tpu.memory_space<vmem_shared>> -> memref<10240x128xf32, #tpu.memory_space<vmem_shared>>
        tpu.enqueue_indirect_dma source(%arg8 : memref<128x128xf32, #tpu.memory_space<vmem>>) target(%dma_start3A_191 : memref<10240x128xf32, #tpu.memory_space<vmem_shared>>) offsets(%dma_start3A_188 : memref<128xi32, #tpu.memory_space<vmem>>) semaphore(%run_scoped3A_185 : memref<!tpu.dma_semaphore, #tpu.memory_space<semaphore_mem>>) {add = true}
        %dma_wait3A_192 = arith.constant 0 : i32
        %dma_wait3A_193 = tpu.memref_slice %arg6[%run_scoped3A_150, %run_scoped3A_151, %dma_wait3A_192] : memref<4x2x128xi32, #tpu.memory_space<vmem>> -> memref<1x1x128xi32, #tpu.memory_space<vmem>>
        %dma_wait3A_194 = tpu.memref_squeeze %dma_wait3A_193 : memref<1x1x128xi32, #tpu.memory_space<vmem>> -> memref<128xi32, #tpu.memory_space<vmem>>
        %dma_wait3A_195 = arith.constant 0 : i32
        %dma_wait3A_196 = arith.constant 0 : i32
        %dma_wait3A_197 = tpu.memref_slice %arg9[%dma_wait3A_195, %dma_wait3A_196] : memref<10240x128xf32, #tpu.memory_space<vmem_shared>> -> memref<10240x128xf32, #tpu.memory_space<vmem_shared>>
        tpu.wait_indirect_dma semaphore(%run_scoped3A_185 : memref<!tpu.dma_semaphore, #tpu.memory_space<semaphore_mem>>) src(%arg8 : memref<128x128xf32, #tpu.memory_space<vmem>>) dst(%dma_wait3A_197 : memref<10240x128xf32, #tpu.memory_space<vmem_shared>>)
        tpu.yield
      }) : () -> ()
      %dma_wait3A_152 = arith.constant 2 : i32
      %dma_wait3A_153 = arith.constant 0 : i32
      %dma_wait3A_154 = arith.constant 0 : i32
      %dma_wait3A_155 = tpu.memref_slice %arg6[%dma_wait3A_152, %dma_wait3A_153, %dma_wait3A_154] : memref<4x2x128xi32, #tpu.memory_space<vmem>> -> memref<1x1x128xi32, #tpu.memory_space<vmem>>
      %dma_wait3A_156 = tpu.memref_squeeze %dma_wait3A_155 : memref<1x1x128xi32, #tpu.memory_space<vmem>> -> memref<128xi32, #tpu.memory_space<vmem>>
      %dma_wait3A_157 = arith.constant 0 : i32
      %dma_wait3A_158 = arith.constant 0 : i32
      %dma_wait3A_159 = tpu.memref_slice %arg2[%dma_wait3A_157, %dma_wait3A_158] : memref<10240x128xf32, #tpu.memory_space<hbm>> -> memref<10240x128xf32, #tpu.memory_space<hbm>>
      tpu.wait_indirect_dma semaphore(%arg12 : memref<!tpu.dma_semaphore, #tpu.memory_space<semaphore_mem>>) src(%dma_wait3A_159 : memref<10240x128xf32, #tpu.memory_space<hbm>>) dst(%arg7 : memref<128x128xf32, #tpu.memory_space<vmem>>)
      %dma_start3A_160 = arith.constant 3 : i32
      %dma_start3A_161 = arith.constant 0 : i32
      %dma_start3A_162 = arith.constant 0 : i32
      %dma_start3A_163 = tpu.memref_slice %arg6[%dma_start3A_160, %dma_start3A_161, %dma_start3A_162] : memref<4x2x128xi32, #tpu.memory_space<vmem>> -> memref<1x1x128xi32, #tpu.memory_space<vmem>>
      %dma_start3A_164 = tpu.memref_squeeze %dma_start3A_163 : memref<1x1x128xi32, #tpu.memory_space<vmem>> -> memref<128xi32, #tpu.memory_space<vmem>>
      %dma_start3A_165 = arith.constant 0 : i32
      %dma_start3A_166 = arith.constant 0 : i32
      %dma_start3A_167 = tpu.memref_slice %arg2[%dma_start3A_165, %dma_start3A_166] : memref<10240x128xf32, #tpu.memory_space<hbm>> -> memref<10240x128xf32, #tpu.memory_space<hbm>>
      tpu.enqueue_indirect_dma source(%dma_start3A_167 : memref<10240x128xf32, #tpu.memory_space<hbm>>) target(%arg8 : memref<128x128xf32, #tpu.memory_space<vmem>>) offsets(%dma_start3A_164 : memref<128xi32, #tpu.memory_space<vmem>>) semaphore(%arg13 : memref<!tpu.dma_semaphore, #tpu.memory_space<semaphore_mem>>)
      %run_scoped3A_168 = arith.constant 2 : i32
      %run_scoped3A_169 = arith.constant 1 : i32
      "tpu.region"() ({
        %run_scoped3A_185 = tpu.sem_alloc : memref<!tpu.dma_semaphore, #tpu.memory_space<semaphore_mem>>
        %dma_start3A_186 = arith.constant 0 : i32
        %dma_start3A_187 = tpu.memref_slice %arg6[%run_scoped3A_168, %run_scoped3A_169, %dma_start3A_186] : memref<4x2x128xi32, #tpu.memory_space<vmem>> -> memref<1x1x128xi32, #tpu.memory_space<vmem>>
        %dma_start3A_188 = tpu.memref_squeeze %dma_start3A_187 : memref<1x1x128xi32, #tpu.memory_space<vmem>> -> memref<128xi32, #tpu.memory_space<vmem>>
        %dma_start3A_189 = arith.constant 0 : i32
        %dma_start3A_190 = arith.constant 0 : i32
        %dma_start3A_191 = tpu.memref_slice %arg9[%dma_start3A_189, %dma_start3A_190] : memref<10240x128xf32, #tpu.memory_space<vmem_shared>> -> memref<10240x128xf32, #tpu.memory_space<vmem_shared>>
        tpu.enqueue_indirect_dma source(%arg7 : memref<128x128xf32, #tpu.memory_space<vmem>>) target(%dma_start3A_191 : memref<10240x128xf32, #tpu.memory_space<vmem_shared>>) offsets(%dma_start3A_188 : memref<128xi32, #tpu.memory_space<vmem>>) semaphore(%run_scoped3A_185 : memref<!tpu.dma_semaphore, #tpu.memory_space<semaphore_mem>>) {add = true}
        %dma_wait3A_192 = arith.constant 0 : i32
        %dma_wait3A_193 = tpu.memref_slice %arg6[%run_scoped3A_168, %run_scoped3A_169, %dma_wait3A_192] : memref<4x2x128xi32, #tpu.memory_space<vmem>> -> memref<1x1x128xi32, #tpu.memory_space<vmem>>
        %dma_wait3A_194 = tpu.memref_squeeze %dma_wait3A_193 : memref<1x1x128xi32, #tpu.memory_space<vmem>> -> memref<128xi32, #tpu.memory_space<vmem>>
        %dma_wait3A_195 = arith.constant 0 : i32
        %dma_wait3A_196 = arith.constant 0 : i32
        %dma_wait3A_197 = tpu.memref_slice %arg9[%dma_wait3A_195, %dma_wait3A_196] : memref<10240x128xf32, #tpu.memory_space<vmem_shared>> -> memref<10240x128xf32, #tpu.memory_space<vmem_shared>>
        tpu.wait_indirect_dma semaphore(%run_scoped3A_185 : memref<!tpu.dma_semaphore, #tpu.memory_space<semaphore_mem>>) src(%arg7 : memref<128x128xf32, #tpu.memory_space<vmem>>) dst(%dma_wait3A_197 : memref<10240x128xf32, #tpu.memory_space<vmem_shared>>)
        tpu.yield
      }) : () -> ()
      %dma_wait3A_170 = arith.constant 3 : i32
      %dma_wait3A_171 = arith.constant 0 : i32
      %dma_wait3A_172 = arith.constant 0 : i32
      %dma_wait3A_173 = tpu.memref_slice %arg6[%dma_wait3A_170, %dma_wait3A_171, %dma_wait3A_172] : memref<4x2x128xi32, #tpu.memory_space<vmem>> -> memref<1x1x128xi32, #tpu.memory_space<vmem>>
      %dma_wait3A_174 = tpu.memref_squeeze %dma_wait3A_173 : memref<1x1x128xi32, #tpu.memory_space<vmem>> -> memref<128xi32, #tpu.memory_space<vmem>>
      %dma_wait3A_175 = arith.constant 0 : i32
      %dma_wait3A_176 = arith.constant 0 : i32
      %dma_wait3A_177 = tpu.memref_slice %arg2[%dma_wait3A_175, %dma_wait3A_176] : memref<10240x128xf32, #tpu.memory_space<hbm>> -> memref<10240x128xf32, #tpu.memory_space<hbm>>
      tpu.wait_indirect_dma semaphore(%arg13 : memref<!tpu.dma_semaphore, #tpu.memory_space<semaphore_mem>>) src(%dma_wait3A_177 : memref<10240x128xf32, #tpu.memory_space<hbm>>) dst(%arg8 : memref<128x128xf32, #tpu.memory_space<vmem>>)
      %lt3A_178 = arith.constant 9 : i32
      %lt3A_179 = arith.cmpi slt, %scan3A_26, %lt3A_178 : i32
      %convert_element_type3A_180 = arith.extui %lt3A_179 : i1 to i32
      %cond3A_181 = arith.constant 0 : i32
      %cond3A_182 = arith.cmpi ne, %convert_element_type3A_180, %cond3A_181 : i32
      scf.if %cond3A_182 {
        %add3A_185 = arith.constant 8 : i32
        %add3A_186 = arith.addi %add3A_31, %add3A_185 : i32
        %dma_wait3A_187 = arith.constant 0 : i32
        %dma_wait3A_188 = arith.constant 0 : i32
        %dma_wait3A_189 = tpu.memref_slice %arg3[%add3A_186, %dma_wait3A_187, %dma_wait3A_188] : memref<2560x2x128xi32, #tpu.memory_space<hbm>> -> memref<4x2x128xi32, #tpu.memory_space<hbm>>
        %dma_wait3A_190 = arith.constant 0 : i32
        %dma_wait3A_191 = arith.constant 0 : i32
        %dma_wait3A_192 = tpu.memref_slice %arg3[%add3A_186, %dma_wait3A_190, %dma_wait3A_191] : memref<2560x2x128xi32, #tpu.memory_space<hbm>> -> memref<4x2x128xi32, #tpu.memory_space<hbm>>
        tpu.wait_dma2 semaphore(%arg10 : memref<!tpu.dma_semaphore, #tpu.memory_space<semaphore_mem>>) src(%dma_wait3A_192 : memref<4x2x128xi32, #tpu.memory_space<hbm>>) dst(%arg5 : memref<4x2x128xi32, #tpu.memory_space<vmem>>)
        %dma_start3A_193 = arith.constant 0 : i32
        %dma_start3A_194 = arith.constant 0 : i32
        %dma_start3A_195 = arith.constant 0 : i32
        %dma_start3A_196 = tpu.memref_slice %arg5[%dma_start3A_193, %dma_start3A_194, %dma_start3A_195] : memref<4x2x128xi32, #tpu.memory_space<vmem>> -> memref<1x1x128xi32, #tpu.memory_space<vmem>>
        %dma_start3A_197 = tpu.memref_squeeze %dma_start3A_196 : memref<1x1x128xi32, #tpu.memory_space<vmem>> -> memref<128xi32, #tpu.memory_space<vmem>>
        %dma_start3A_198 = arith.constant 0 : i32
        %dma_start3A_199 = arith.constant 0 : i32
        %dma_start3A_200 = tpu.memref_slice %arg2[%dma_start3A_198, %dma_start3A_199] : memref<10240x128xf32, #tpu.memory_space<hbm>> -> memref<10240x128xf32, #tpu.memory_space<hbm>>
        tpu.enqueue_indirect_dma source(%dma_start3A_200 : memref<10240x128xf32, #tpu.memory_space<hbm>>) target(%arg7 : memref<128x128xf32, #tpu.memory_space<vmem>>) offsets(%dma_start3A_197 : memref<128xi32, #tpu.memory_space<vmem>>) semaphore(%arg12 : memref<!tpu.dma_semaphore, #tpu.memory_space<semaphore_mem>>)
      } else {
      }
      %run_scoped3A_183 = arith.constant 3 : i32
      %run_scoped3A_184 = arith.constant 1 : i32
      "tpu.region"() ({
        %run_scoped3A_185 = tpu.sem_alloc : memref<!tpu.dma_semaphore, #tpu.memory_space<semaphore_mem>>
        %dma_start3A_186 = arith.constant 0 : i32
        %dma_start3A_187 = tpu.memref_slice %arg6[%run_scoped3A_183, %run_scoped3A_184, %dma_start3A_186] : memref<4x2x128xi32, #tpu.memory_space<vmem>> -> memref<1x1x128xi32, #tpu.memory_space<vmem>>
        %dma_start3A_188 = tpu.memref_squeeze %dma_start3A_187 : memref<1x1x128xi32, #tpu.memory_space<vmem>> -> memref<128xi32, #tpu.memory_space<vmem>>
        %dma_start3A_189 = arith.constant 0 : i32
        %dma_start3A_190 = arith.constant 0 : i32
        %dma_start3A_191 = tpu.memref_slice %arg9[%dma_start3A_189, %dma_start3A_190] : memref<10240x128xf32, #tpu.memory_space<vmem_shared>> -> memref<10240x128xf32, #tpu.memory_space<vmem_shared>>
        tpu.enqueue_indirect_dma source(%arg8 : memref<128x128xf32, #tpu.memory_space<vmem>>) target(%dma_start3A_191 : memref<10240x128xf32, #tpu.memory_space<vmem_shared>>) offsets(%dma_start3A_188 : memref<128xi32, #tpu.memory_space<vmem>>) semaphore(%run_scoped3A_185 : memref<!tpu.dma_semaphore, #tpu.memory_space<semaphore_mem>>) {add = true}
        %dma_wait3A_192 = arith.constant 0 : i32
        %dma_wait3A_193 = tpu.memref_slice %arg6[%run_scoped3A_183, %run_scoped3A_184, %dma_wait3A_192] : memref<4x2x128xi32, #tpu.memory_space<vmem>> -> memref<1x1x128xi32, #tpu.memory_space<vmem>>
        %dma_wait3A_194 = tpu.memref_squeeze %dma_wait3A_193 : memref<1x1x128xi32, #tpu.memory_space<vmem>> -> memref<128xi32, #tpu.memory_space<vmem>>
        %dma_wait3A_195 = arith.constant 0 : i32
        %dma_wait3A_196 = arith.constant 0 : i32
        %dma_wait3A_197 = tpu.memref_slice %arg9[%dma_wait3A_195, %dma_wait3A_196] : memref<10240x128xf32, #tpu.memory_space<vmem_shared>> -> memref<10240x128xf32, #tpu.memory_space<vmem_shared>>
        tpu.wait_indirect_dma semaphore(%run_scoped3A_185 : memref<!tpu.dma_semaphore, #tpu.memory_space<semaphore_mem>>) src(%arg8 : memref<128x128xf32, #tpu.memory_space<vmem>>) dst(%dma_wait3A_197 : memref<10240x128xf32, #tpu.memory_space<vmem_shared>>)
        tpu.yield
      }) : () -> ()
    }
    %scan3A_24 = arith.constant 10 : i32
    %barrier3A_25 = arith.constant 0 : index
    tpu.barrier barrier_id(%barrier3A_25)
    "tpu.region"() ({
      %run_scoped3A = tpu.sem_alloc : memref<!tpu.dma_semaphore, #tpu.memory_space<semaphore_mem>>
      %dma_start3A_26 = arith.constant 0 : i32
      %dma_start3A_27 = tpu.memref_slice %arg4[%arg0, %mul3A_0, %dma_start3A_26] : memref<2x10240x128xf32, #tpu.memory_space<hbm>> -> memref<1x640x128xf32, #tpu.memory_space<hbm>>
      %dma_start3A_28 = tpu.memref_squeeze %dma_start3A_27 : memref<1x640x128xf32, #tpu.memory_space<hbm>> -> memref<640x128xf32, #tpu.memory_space<hbm>>
      %dma_start3A_29 = arith.constant 0 : i32
      %dma_start3A_30 = tpu.memref_slice %arg9[%mul3A_0, %dma_start3A_29] : memref<10240x128xf32, #tpu.memory_space<vmem_shared>> -> memref<640x128xf32, #tpu.memory_space<vmem_shared>>
      tpu.enqueue_dma source(%dma_start3A_30 : memref<640x128xf32, #tpu.memory_space<vmem_shared>>) target(%dma_start3A_28 : memref<640x128xf32, #tpu.memory_space<hbm>>) target_semaphore(%run_scoped3A : memref<!tpu.dma_semaphore, #tpu.memory_space<semaphore_mem>>)
      %dma_wait3A = arith.constant 0 : i32
      %dma_wait3A_31 = tpu.memref_slice %arg4[%arg0, %mul3A_0, %dma_wait3A] : memref<2x10240x128xf32, #tpu.memory_space<hbm>> -> memref<1x640x128xf32, #tpu.memory_space<hbm>>
      %dma_wait3A_32 = tpu.memref_squeeze %dma_wait3A_31 : memref<1x640x128xf32, #tpu.memory_space<hbm>> -> memref<640x128xf32, #tpu.memory_space<hbm>>
      %dma_wait3A_33 = arith.constant 0 : i32
      %dma_wait3A_34 = tpu.memref_slice %arg9[%mul3A_0, %dma_wait3A_33] : memref<10240x128xf32, #tpu.memory_space<vmem_shared>> -> memref<640x128xf32, #tpu.memory_space<vmem_shared>>
      tpu.wait_dma2 semaphore(%run_scoped3A : memref<!tpu.dma_semaphore, #tpu.memory_space<semaphore_mem>>) src(%dma_wait3A_34 : memref<640x128xf32, #tpu.memory_space<vmem_shared>>) dst(%dma_wait3A_32 : memref<640x128xf32, #tpu.memory_space<hbm>>)
      tpu.yield
    }) : () -> ()
    return
  }
}

module attributes {stable_mosaic.version = 14 : i64} {
  func.func @_layer_body(%arg0: i32, %arg1: memref<1x2000x128xf32, #tpu.memory_space<vmem>>, %arg2: memref<1x2000x128xf32, #tpu.memory_space<vmem>>, %arg3: memref<2000x128xf32, #tpu.memory_space<vmem>>, %arg4: memref<1x128xf32, #tpu.memory_space<vmem>>, %arg5: memref<128x128xf32, #tpu.memory_space<vmem>>, %arg6: memref<2000x128xf32, #tpu.memory_space<vmem>>) attributes {dimension_semantics = [#tpu.dimension_semantics<arbitrary>], iteration_bounds = array<i64: 5>, scalar_prefetch = 0 : i64, scratch_operands = 0 : i64, tpu.core_type = #tpu.core_type<tc>, window_params = [{transform_indices = @transform_0, window_bounds = array<i64: 1, 2000, 128>}, {transform_indices = @transform_1, window_bounds = array<i64: 1, 2000, 128>}, {transform_indices = @transform_2, window_bounds = array<i64: 2000, 128>}, {pipeline_mode = #tpu.pipeline_mode<synchronous>, transform_indices = @transform_3, window_bounds = array<i64: 1, 128>}, {pipeline_mode = #tpu.pipeline_mode<synchronous>, transform_indices = @transform_4, window_bounds = array<i64: 128, 128>}, {transform_indices = @transform_5, window_bounds = array<i64: 2000, 128>}]} {
    %get3A = arith.constant 0 : index
    %get3A_0 = arith.constant 0 : index
    %get3A_1 = arith.constant 0 : index
    %get3A_2 = vector.load %arg1[%get3A, %get3A_0, %get3A_1] : memref<1x2000x128xf32, #tpu.memory_space<vmem>>, vector<1x2000x128xf32>
    %get3A_3 = vector.shape_cast %get3A_2 : vector<1x2000x128xf32> to vector<2000x128xf32>
    %get3A_4 = arith.constant 0 : index
    %get3A_5 = arith.constant 0 : index
    %get3A_6 = arith.constant 0 : index
    %get3A_7 = vector.load %arg2[%get3A_4, %get3A_5, %get3A_6] : memref<1x2000x128xf32, #tpu.memory_space<vmem>>, vector<1x2000x128xf32>
    %get3A_8 = vector.shape_cast %get3A_7 : vector<1x2000x128xf32> to vector<2000x128xf32>
    %add3A = arith.addf %get3A_3, %get3A_8 : vector<2000x128xf32>
    %get3A_9 = arith.constant 0 : index
    %get3A_10 = arith.constant 0 : index
    %get3A_11 = vector.load %arg3[%get3A_9, %get3A_10] : memref<2000x128xf32, #tpu.memory_space<vmem>>, vector<2000x128xf32>
    %sub3A = arith.subf %add3A, %get3A_11 : vector<2000x128xf32>
    %get3A_12 = arith.constant 0 : index
    %get3A_13 = arith.constant 0 : index
    %get3A_14 = vector.load %arg5[%get3A_12, %get3A_13] : memref<128x128xf32, #tpu.memory_space<vmem>>, vector<128x128xf32>
    %dot_general3A = arith.constant dense<0.000000e+00> : vector<2000x128xf32>
    %dot_general3A_15 = tpu.matmul %sub3A, %get3A_14, %dot_general3A {dimension_numbers = #tpu.dot_dimension_numbers<[1], [0], [0], [1], [0, 0, 1, 1], [], []>, transpose_lhs_hint = false} : vector<2000x128xf32>, vector<128x128xf32>, vector<2000x128xf32> -> vector<2000x128xf32>
    %get3A_16 = arith.constant 0 : index
    %get3A_17 = arith.constant 0 : index
    %get3A_18 = vector.load %arg4[%get3A_16, %get3A_17] : memref<1x128xf32, #tpu.memory_space<vmem>>, vector<1x128xf32>
    %add3A_19 = vector.broadcast %get3A_18 : vector<1x128xf32> to vector<2000x128xf32>
    %add3A_20 = arith.addf %dot_general3A_15, %add3A_19 : vector<2000x128xf32>
    %tanh3A = math.tanh %add3A_20 : vector<2000x128xf32>
    %swap3A = arith.constant 0 : index
    %swap3A_21 = arith.constant 0 : index
    %swap3A_22 = vector.load %arg6[%swap3A, %swap3A_21] : memref<2000x128xf32, #tpu.memory_space<vmem>>, vector<2000x128xf32>
    tpu.vector_store %arg6[%swap3A, %swap3A_21], %tanh3A {strides = array<i32>} : memref<2000x128xf32, #tpu.memory_space<vmem>>, vector<2000x128xf32>,
    return
  }
  func.func @transform_0(%arg0: i32) -> (i32, i32, i32) {
    %c0_i32 = arith.constant 0 : i32
    %c0_i32_0 = arith.constant 0 : i32
    %c0_i32_1 = arith.constant 0 : i32
    return %c0_i32, %arg0, %c0_i32_0 : i32, i32, i32
  }
  func.func @transform_1(%arg0: i32) -> (i32, i32, i32) {
    %c1_i32 = arith.constant 1 : i32
    %c0_i32 = arith.constant 0 : i32
    %c0_i32_0 = arith.constant 0 : i32
    return %c1_i32, %arg0, %c0_i32 : i32, i32, i32
  }
  func.func @transform_2(%arg0: i32) -> (i32, i32) {
    %c0_i32 = arith.constant 0 : i32
    %c0_i32_0 = arith.constant 0 : i32
    return %arg0, %c0_i32 : i32, i32
  }
  func.func @transform_3(%arg0: i32) -> (i32, i32) {
    %c0_i32 = arith.constant 0 : i32
    %c0_i32_0 = arith.constant 0 : i32
    %c0_i32_1 = arith.constant 0 : i32
    return %c0_i32, %c0_i32_0 : i32, i32
  }
  func.func @transform_4(%arg0: i32) -> (i32, i32) {
    %c0_i32 = arith.constant 0 : i32
    %c0_i32_0 = arith.constant 0 : i32
    %c0_i32_1 = arith.constant 0 : i32
    return %c0_i32, %c0_i32_0 : i32, i32
  }
  func.func @transform_5(%arg0: i32) -> (i32, i32) {
    %c0_i32 = arith.constant 0 : i32
    %c0_i32_0 = arith.constant 0 : i32
    return %arg0, %c0_i32 : i32, i32
  }
}

module attributes {stable_mosaic.version = 14 : i64} {
  func.func @_final_body(%arg0: i32, %arg1: memref<1x2000x128xf32, #tpu.memory_space<vmem>>, %arg2: memref<1x2000x128xf32, #tpu.memory_space<vmem>>, %arg3: memref<2000x128xf32, #tpu.memory_space<vmem>>, %arg4: memref<1x128xf32, #tpu.memory_space<vmem>>, %arg5: memref<128x128xf32, #tpu.memory_space<vmem>>, %arg6: memref<128x128xf32, #tpu.memory_space<vmem>>, %arg7: memref<1x128xf32, #tpu.memory_space<vmem>>, %arg8: memref<1x128xf32, #tpu.memory_space<vmem>>, %arg9: memref<8x128xf32, #tpu.memory_space<vmem>>) attributes {dimension_semantics = [#tpu.dimension_semantics<arbitrary>], iteration_bounds = array<i64: 5>, scalar_prefetch = 0 : i64, scratch_operands = 1 : i64, tpu.core_type = #tpu.core_type<tc>, window_params = [{transform_indices = @transform_0, window_bounds = array<i64: 1, 2000, 128>}, {transform_indices = @transform_1, window_bounds = array<i64: 1, 2000, 128>}, {transform_indices = @transform_2, window_bounds = array<i64: 2000, 128>}, {pipeline_mode = #tpu.pipeline_mode<synchronous>, transform_indices = @transform_3, window_bounds = array<i64: 1, 128>}, {pipeline_mode = #tpu.pipeline_mode<synchronous>, transform_indices = @transform_4, window_bounds = array<i64: 128, 128>}, {pipeline_mode = #tpu.pipeline_mode<synchronous>, transform_indices = @transform_5, window_bounds = array<i64: 128, 128>}, {pipeline_mode = #tpu.pipeline_mode<synchronous>, transform_indices = @transform_6, window_bounds = array<i64: 1, 128>}, {pipeline_mode = #tpu.pipeline_mode<synchronous>, transform_indices = @transform_7, window_bounds = array<i64: 1, 128>}]} {
    %get3A = arith.constant 0 : index
    %get3A_0 = arith.constant 0 : index
    %get3A_1 = arith.constant 0 : index
    %get3A_2 = vector.load %arg1[%get3A, %get3A_0, %get3A_1] : memref<1x2000x128xf32, #tpu.memory_space<vmem>>, vector<1x2000x128xf32>
    %get3A_3 = vector.shape_cast %get3A_2 : vector<1x2000x128xf32> to vector<2000x128xf32>
    %get3A_4 = arith.constant 0 : index
    %get3A_5 = arith.constant 0 : index
    %get3A_6 = arith.constant 0 : index
    %get3A_7 = vector.load %arg2[%get3A_4, %get3A_5, %get3A_6] : memref<1x2000x128xf32, #tpu.memory_space<vmem>>, vector<1x2000x128xf32>
    %get3A_8 = vector.shape_cast %get3A_7 : vector<1x2000x128xf32> to vector<2000x128xf32>
    %add3A = arith.addf %get3A_3, %get3A_8 : vector<2000x128xf32>
    %get3A_9 = arith.constant 0 : index
    %get3A_10 = arith.constant 0 : index
    %get3A_11 = vector.load %arg3[%get3A_9, %get3A_10] : memref<2000x128xf32, #tpu.memory_space<vmem>>, vector<2000x128xf32>
    %sub3A = arith.subf %add3A, %get3A_11 : vector<2000x128xf32>
    %get3A_12 = arith.constant 0 : index
    %get3A_13 = arith.constant 0 : index
    %get3A_14 = vector.load %arg5[%get3A_12, %get3A_13] : memref<128x128xf32, #tpu.memory_space<vmem>>, vector<128x128xf32>
    %dot_general3A = arith.constant dense<0.000000e+00> : vector<2000x128xf32>
    %dot_general3A_15 = tpu.matmul %sub3A, %get3A_14, %dot_general3A {dimension_numbers = #tpu.dot_dimension_numbers<[1], [0], [0], [1], [0, 0, 1, 1], [], []>, transpose_lhs_hint = false} : vector<2000x128xf32>, vector<128x128xf32>, vector<2000x128xf32> -> vector<2000x128xf32>
    %get3A_16 = arith.constant 0 : index
    %get3A_17 = arith.constant 0 : index
    %get3A_18 = vector.load %arg4[%get3A_16, %get3A_17] : memref<1x128xf32, #tpu.memory_space<vmem>>, vector<1x128xf32>
    %add3A_19 = vector.broadcast %get3A_18 : vector<1x128xf32> to vector<2000x128xf32>
    %add3A_20 = arith.addf %dot_general3A_15, %add3A_19 : vector<2000x128xf32>
    %tanh3A = math.tanh %add3A_20 : vector<2000x128xf32>
    %get3A_21 = arith.constant 0 : index
    %get3A_22 = arith.constant 0 : index
    %get3A_23 = vector.load %arg6[%get3A_21, %get3A_22] : memref<128x128xf32, #tpu.memory_space<vmem>>, vector<128x128xf32>
    %dot_general3A_24 = arith.constant dense<0.000000e+00> : vector<2000x128xf32>
    %dot_general3A_25 = tpu.matmul %tanh3A, %get3A_23, %dot_general3A_24 {dimension_numbers = #tpu.dot_dimension_numbers<[1], [0], [0], [1], [0, 0, 1, 1], [], []>, transpose_lhs_hint = false} : vector<2000x128xf32>, vector<128x128xf32>, vector<2000x128xf32> -> vector<2000x128xf32>
    %reduce_sum3A = arith.constant dense<0.000000e+00> : vector<128xf32>
    %reduce_sum3A_26 = vector.multi_reduction <add>, %dot_general3A_25, %reduce_sum3A [0] : vector<2000x128xf32> to vector<128xf32>
    %broadcast_in_dim3A = vector.shape_cast %reduce_sum3A_26 : vector<128xf32> to vector<1x128xf32>
    %eq3A = arith.constant 0 : i32
    %eq3A_27 = arith.cmpi eq, %arg0, %eq3A : i32
    %convert_element_type3A = arith.extui %eq3A_27 : i1 to i32
    %cond3A = arith.constant 0 : i32
    %cond3A_28 = arith.cmpi ne, %convert_element_type3A, %cond3A : i32
    scf.if %cond3A_28 {
      %broadcast_in_dim3A_38 = vector.shape_cast %broadcast_in_dim3A : vector<1x128xf32> to vector<1x128xf32>
      %broadcast_in_dim3A_39 = vector.broadcast %broadcast_in_dim3A_38 : vector<1x128xf32> to vector<8x128xf32>
      %swap3A = arith.constant 0 : index
      %swap3A_40 = arith.constant 0 : index
      %swap3A_41 = vector.load %arg9[%swap3A, %swap3A_40] : memref<8x128xf32, #tpu.memory_space<vmem>>, vector<8x128xf32>
      tpu.vector_store %arg9[%swap3A, %swap3A_40], %broadcast_in_dim3A_39 {strides = array<i32>} : memref<8x128xf32, #tpu.memory_space<vmem>>, vector<8x128xf32>,
    } else {
    }
    %gt3A = arith.constant 0 : i32
    %gt3A_29 = arith.cmpi sgt, %arg0, %gt3A : i32
    %convert_element_type3A_30 = arith.extui %gt3A_29 : i1 to i32
    %cond3A_31 = arith.constant 0 : i32
    %cond3A_32 = arith.cmpi ne, %convert_element_type3A_30, %cond3A_31 : i32
    scf.if %cond3A_32 {
      %get3A_38 = arith.constant 0 : index
      %get3A_39 = arith.constant 0 : index
      %get3A_40 = vector.load %arg9[%get3A_38, %get3A_39] : memref<8x128xf32, #tpu.memory_space<vmem>>, vector<8x128xf32>
      %broadcast_in_dim3A_41 = vector.shape_cast %broadcast_in_dim3A : vector<1x128xf32> to vector<1x128xf32>
      %broadcast_in_dim3A_42 = vector.broadcast %broadcast_in_dim3A_41 : vector<1x128xf32> to vector<8x128xf32>
      %add3A_43 = arith.addf %get3A_40, %broadcast_in_dim3A_42 : vector<8x128xf32>
      %swap3A = arith.constant 0 : index
      %swap3A_44 = arith.constant 0 : index
      %swap3A_45 = vector.load %arg9[%swap3A, %swap3A_44] : memref<8x128xf32, #tpu.memory_space<vmem>>, vector<8x128xf32>
      tpu.vector_store %arg9[%swap3A, %swap3A_44], %add3A_43 {strides = array<i32>} : memref<8x128xf32, #tpu.memory_space<vmem>>, vector<8x128xf32>,
    } else {
    }
    %eq3A_33 = arith.constant 4 : i32
    %eq3A_34 = arith.cmpi eq, %arg0, %eq3A_33 : i32
    %convert_element_type3A_35 = arith.extui %eq3A_34 : i1 to i32
    %cond3A_36 = arith.constant 0 : i32
    %cond3A_37 = arith.cmpi ne, %convert_element_type3A_35, %cond3A_36 : i32
    scf.if %cond3A_37 {
      %get3A_38 = arith.constant 0 : index
      %get3A_39 = arith.constant 0 : index
      %get3A_40 = vector.load %arg9[%get3A_38, %get3A_39] : memref<8x128xf32, #tpu.memory_space<vmem>>, vector<8x128xf32>
      %slice3A = vector.extract_strided_slice %get3A_40 {offsets = [0, 0], sizes = [1, 128], strides = [1, 1]} : vector<8x128xf32> to vector<1x128xf32>
      %mul3A = arith.constant 9.99999974E-5 : f32
      %mul3A_41 = vector.broadcast %mul3A : f32 to vector<1x128xf32>
      %mul3A_42 = arith.mulf %slice3A, %mul3A_41 : vector<1x128xf32>
      %get3A_43 = arith.constant 0 : index
      %get3A_44 = arith.constant 0 : index
      %get3A_45 = vector.load %arg7[%get3A_43, %get3A_44] : memref<1x128xf32, #tpu.memory_space<vmem>>, vector<1x128xf32>
      %add3A_46 = arith.addf %mul3A_42, %get3A_45 : vector<1x128xf32>
      %tanh3A_47 = math.tanh %add3A_46 : vector<1x128xf32>
      %swap3A = arith.constant 0 : index
      %swap3A_48 = arith.constant 0 : index
      %swap3A_49 = vector.load %arg8[%swap3A, %swap3A_48] : memref<1x128xf32, #tpu.memory_space<vmem>>, vector<1x128xf32>
      tpu.vector_store %arg8[%swap3A, %swap3A_48], %tanh3A_47 {strides = array<i32>} : memref<1x128xf32, #tpu.memory_space<vmem>>, vector<1x128xf32>,
    } else {
    }
    return
  }
  func.func @transform_0(%arg0: i32) -> (i32, i32, i32) {
    %c0_i32 = arith.constant 0 : i32
    %c0_i32_0 = arith.constant 0 : i32
    %c0_i32_1 = arith.constant 0 : i32
    return %c0_i32, %arg0, %c0_i32_0 : i32, i32, i32
  }
  func.func @transform_1(%arg0: i32) -> (i32, i32, i32) {
    %c1_i32 = arith.constant 1 : i32
    %c0_i32 = arith.constant 0 : i32
    %c0_i32_0 = arith.constant 0 : i32
    return %c1_i32, %arg0, %c0_i32 : i32, i32, i32
  }
  func.func @transform_2(%arg0: i32) -> (i32, i32) {
    %c0_i32 = arith.constant 0 : i32
    %c0_i32_0 = arith.constant 0 : i32
    return %arg0, %c0_i32 : i32, i32
  }
  func.func @transform_3(%arg0: i32) -> (i32, i32) {
    %c0_i32 = arith.constant 0 : i32
    %c0_i32_0 = arith.constant 0 : i32
    %c0_i32_1 = arith.constant 0 : i32
    return %c0_i32, %c0_i32_0 : i32, i32
  }
  func.func @transform_4(%arg0: i32) -> (i32, i32) {
    %c0_i32 = arith.constant 0 : i32
    %c0_i32_0 = arith.constant 0 : i32
    %c0_i32_1 = arith.constant 0 : i32
    return %c0_i32, %c0_i32_0 : i32, i32
  }
  func.func @transform_5(%arg0: i32) -> (i32, i32) {
    %c0_i32 = arith.constant 0 : i32
    %c0_i32_0 = arith.constant 0 : i32
    %c0_i32_1 = arith.constant 0 : i32
    return %c0_i32, %c0_i32_0 : i32, i32
  }
  func.func @transform_6(%arg0: i32) -> (i32, i32) {
    %c0_i32 = arith.constant 0 : i32
    %c0_i32_0 = arith.constant 0 : i32
    %c0_i32_1 = arith.constant 0 : i32
    return %c0_i32, %c0_i32_0 : i32, i32
  }
  func.func @transform_7(%arg0: i32) -> (i32, i32) {
    %c0_i32 = arith.constant 0 : i32
    %c0_i32_0 = arith.constant 0 : i32
    %c0_i32_1 = arith.constant 0 : i32
    return %c0_i32, %c0_i32_0 : i32, i32
  }
}

</mosaic_0001>

<sc_bundles>
// kernel: kernel.6.cloned.1.call-start
scs
__scs_entry_jumppad:
0x0: {  	(pc) =	sbr.rel $0x88, $3  }
0x1: {  	(tag) =	ssettag $0x0;
	lr =	simm.s32 $0x1  }
0x2: {  	[smem:$0x3F99] =	sst lr;
	_ =	strace $0xD0000000  }
0x3: {  	_ = 	snop  }
0x4: {  	_ = 	snop  }
0x5: {  	_ = 	snop  }
0x6: {  	_ = 	snop  }
0x7: {  	_ = 	snop  }
__scs_overlays_trampoline_lowered:
0x8: {  	[smem:$0x3FA8] =	sst s0  }
0x9: {  	[smem:$0x3FA9] =	sst s1  }
0xa: {  	[smem:$0x3FAA] =	sst s2  }
0xb: {  	[smem:$0x3FAB] =	sst s3  }
0xc: {  	[smem:$0x3FAC] =	sst s4  }
0xd: {  	[smem:$0x3FAD] =	sst s5  }
0xe: {  	[smem:$0x3FAE] =	sst s6  }
0xf: {  	[smem:$0x3FAF] =	sst s7  }
0x10: {  	[smem:$0x3FB0] =	sst s8  }
0x11: {  	[smem:$0x3FB1] =	sst s9;
	s0 =	simm.s32 @!p0 $0x0  }
0x12: {  	s1 =	sld [smem:$0x3F97];
	s0 =	simm.s32 @p0 $0x1  }
0x13: {  	[smem:$0x3FB2] =	sst s0;
	s0 =	simm.s32 @!p1 $0x0  }
0x14: {  	s2 =	sld [smem:$0x3F96];
	s0 =	simm.s32 @p1 $0x1  }
0x15: {  	[smem:$0x3FB3] =	sst s0;
	s0 =	simm.s32 @!p2 $0x0  }
0x16: {  	s3 =	sld [smem:$0x3FDB];
	s0 =	simm.s32 @p2 $0x1  }
0x17: {  	s4 =	simm.s32 $0x1BF5;
	[smem:$0x3FB5] =	sst s0  }
0x18: {  	s0 =	sld [smem:$0x3F98];
	_ =	swait.ge [sflag:s4], $0x0  }
0x19: {  	s7 =	sld [smem:$0x3F99]  }
0x1a: {  	s8 =	sadd.s32 $0xFFFFE003, lr  }
0x1b: {  	s9 =	sadd.s32 $0xFFFFFEF7, lr;
	s5 =	simm.s32 $0xFFFFFFFF;
	p2 =	slt.u32 s8, $0xFFFFF086  }
0x1c: {  	p1 =	slt.u32 s9, $0xF7A;
	s5 =	simm.s32 @!p2 $0x0  }
0x1d: {  	s5 =	simm.s32 @p1 $0x1;
	p0 =	seq.s32 s7, s2  }
0x1e: {  	s7 =	smul.u32 @!p0 $0xF7A, s2;
	p2 =	seq.s32 @!p0 s5, $0x0  }
0x1f: {  	s9 =	smul.u32 $0xF7A, s1;
	s8 =	simm.s32 @!p0 $0x1BF5;
	p2 =	por !p2, p0  }
0x20: {  	[sflag:s8] =	ssyncset.s32 @!p0 $0xFFFFF086;
	s6 =	sadd.s32 @!p0 s3, s7;
	s7 =	simm.s32 @!p0 $0x108  }
0x21: {  	s3 =	sadd.s32 s3, s9;
	s6 =	sadd.s32 @!p0 $0x88, s6;
	s7 =	simm.s32 @p2 $0x1082  }
0x22: {  	[simem:s7], [sflag:s8] =	dma.local @!p0 [hbm:s6], $0xF7A  }
0x23: {  	s9 =	sor.u32 $0xD0000000, s2;
	s6 =	simm.s32 $0x108;
	_ =	swait.ge @!p0 [sflag:s8], $0x0  }
0x24: {  	s3 =	sadd.s32 $0x88, s3;
	s6 =	simm.s32 @!p1 $0x1082;
	[sflag:s4] =	ssyncset.s32 $0xFFFFF086  }
0x25: {  	[simem:s6], [sflag:s4] =	dma.local [hbm:s3], $0xF7A  }
0x26: {  	[smem:$0x3F99] =	sst s1;
	(tag) =	ssettag s2;
	_ =	strace s9  }
0x27: {  	s1 =	sld [smem:$0x3FA9]  }
0x28: {  	s2 =	sld [smem:$0x3FAA]  }
0x29: {  	s4 =	sld [smem:$0x3FAC]  }
0x2a: {  	p0 =	seq.s32 s5, $0x0;
	s5 =	sld [smem:$0x3FAD]  }
0x2b: {  	s6 =	sld [smem:$0x3FAE]  }
0x2c: {  	s7 =	sld [smem:$0x3FAF]  }
0x2d: {  	s3 =	simm.s32 $0x108;
	s8 =	sld [smem:$0x3FB0]  }
0x2e: {  	s3 =	simm.s32 @!p0 $0x1082;
	s9 =	sld [smem:$0x3FB1]  }
0x2f: {  	lr =	sadd.s32 s0, s3;
	s0 =	sld [smem:$0x3FA8]  }
0x30: {  	s3 =	sld [smem:$0x3FAB]  }
0x31: {  	[smem:$0x3FB4] =	sst s10  }
0x32: {  	s10 =	sld [smem:$0x3FB2];
	_ =	sdelay $0x3  }
0x33: {  	p0 =	seq.s32 s10, $0x1;
	s10 =	sld [smem:$0x3FB4];
	_ =	sdelay $0x3  }
0x34: {  	[smem:$0x3FB4] =	sst s10  }
0x35: {  	s10 =	sld [smem:$0x3FB3];
	_ =	sdelay $0x3  }
0x36: {  	p1 =	seq.s32 s10, $0x1;
	s10 =	sld [smem:$0x3FB4];
	_ =	sdelay $0x3  }
0x37: {  	[smem:$0x3FB4] =	sst s10  }
0x38: {  	s10 =	sld [smem:$0x3FB5]  }
0x39: {  	_ = 	snop;
	(pc) =	sbr.ind lr, $3  }
0x3a: {  	_ = 	snop  }
0x3b: {  	_ = 	snop  }
0x3c: {  	p2 =	seq.s32 s10, $0x1;
	s10 =	sld [smem:$0x3FB4]  }
0x3d: {  	_ =	shalt  }
0x3e: {  	_ =	shalt  }
0x3f: {  	_ =	shalt  }
0x40: {  	_ =	shalt  }
0x41: {  	_ =	shalt  }
0x42: {  	_ =	shalt  }
0x43: {  	_ =	shalt  }
0x44: {  	_ =	shalt  }
0x45: {  	_ =	shalt  }
0x46: {  	_ =	shalt  }
0x47: {  	_ =	shalt  }
0x48: {  	_ =	shalt  }
0x49: {  	_ =	shalt  }
0x4a: {  	_ =	shalt  }
0x4b: {  	_ =	shalt  }
0x4c: {  	_ =	shalt  }
0x4d: {  	_ =	shalt  }
0x4e: {  	_ =	shalt  }
0x4f: {  	_ =	shalt  }
0x50: {  	_ =	shalt  }
0x51: {  	_ =	shalt  }
0x52: {  	_ =	shalt  }
0x53: {  	_ =	shalt  }
0x54: {  	_ =	shalt  }
0x55: {  	_ =	shalt  }
0x56: {  	_ =	shalt  }
0x57: {  	_ =	shalt  }
0x58: {  	_ =	shalt  }
0x59: {  	_ =	shalt  }
0x5a: {  	_ =	shalt  }
0x5b: {  	_ =	shalt  }
0x5c: {  	_ =	shalt  }
0x5d: {  	_ =	shalt  }
0x5e: {  	_ =	shalt  }
0x5f: {  	_ =	shalt  }
0x60: {  	_ =	shalt  }
0x61: {  	_ =	shalt  }
0x62: {  	_ =	shalt  }
0x63: {  	_ =	shalt  }
0x64: {  	_ =	shalt  }
0x65: {  	_ =	shalt  }
0x66: {  	_ =	shalt  }
0x67: {  	_ =	shalt  }
0x68: {  	_ =	shalt  }
0x69: {  	_ =	shalt  }
0x6a: {  	_ =	shalt  }
0x6b: {  	_ =	shalt  }
0x6c: {  	_ =	shalt  }
0x6d: {  	_ =	shalt  }
0x6e: {  	_ =	shalt  }
0x6f: {  	_ =	shalt  }
0x70: {  	_ =	shalt  }
0x71: {  	_ =	shalt  }
0x72: {  	_ =	shalt  }
0x73: {  	_ =	shalt  }
0x74: {  	_ =	shalt  }
0x75: {  	_ =	shalt  }
0x76: {  	_ =	shalt  }
0x77: {  	_ =	shalt  }
0x78: {  	_ =	shalt  }
0x79: {  	_ =	shalt  }
0x7a: {  	_ =	shalt  }
0x7b: {  	_ =	shalt  }
0x7c: {  	_ =	shalt  }
0x7d: {  	_ =	shalt  }
0x7e: {  	_ =	shalt  }
0x7f: {  	_ =	shalt  }
0x80: {  	_ =	shalt  }
0x81: {  	_ =	shalt  }
0x82: {  	_ =	shalt  }
0x83: {  	_ =	shalt  }
0x84: {  	_ =	shalt  }
0x85: {  	_ =	shalt  }
0x86: {  	_ =	shalt  }
0x87: {  	_ =	shalt  }
.Lfunc_end0:
.L_simem_size_0:
called_computation_lowered:
.L_overlay_start_0:
0x88: {  	s2 =	sld [smem:$0x3FD9]  }
0x89: {  	s3 =	sld [smem:$0x3FFE];
	_ =	sdelay $0x1  }
0x8a: {  	s1 =	srdreg.scid  }
0x8b: {  	s0 =	sand.u32 $0x1, s1  }
0x8c: {  	s16 =	sshll.u32 s0, $0xA;
	s2 =	sadd.s32 s3, s2  }
0x8d: {  	s2 =	sadd.s32 s2, s16  }
0x8e: {  	[smem:$0x3FC0] =	sst s2  }
0x8f: {  	_ = 	snop  }
0x90: {  	(tm) =	ssettm $0x1  }
0x91: {  	s17 =	sld [smem:$0x3FFB];
	_ =	sdelay $0x3  }
0x92: {  	_ =	strace s17  }
0x93: {  	s2 =	sld [smem:$0x3FFC];
	_ =	sdelay $0x3  }
0x94: {  	_ =	strace s2  }
0x95: {  	s2 =	sld [smem:$0x3FFD];
	_ =	sdelay $0x3  }
0x96: {  	_ =	strace s2  }
0x97: {  	_ =	strace $0x8FFFFFFF  }
0x98: {  	s18 =	sld [smem:$0x3FDB];
	_ =	sdelay $0x1  }
0x99: {  	s19 =	simm.s32 $_scs_section_size  }
0x9a: {  	s4 =	simm.s32 $_size__tile_overlayer_lowered;
	s5 =	simm.s32 $_tile_overlayer_lowered  }
0x9b: {  	s22 =	simm.s32 $0x1BFF;
	s21 =	sshll.u32 s5, $0x1;
	s2 =	sadd.s32 s19, s18  }
0x9c: {  	s6 =	simm.s32 $0x0;
	s20 =	sshll.u32 s4, $0x1;
	s4 =	sadd.s32 s21, s2  }
0x9d: {  	[timem:s6], [sflag:s22] =	dma.local [hbm:s4], s20  }
0x9e: {  	_ =	swait.ge [sflag:s22], s20  }
0x9f: {  	s3 =	ssub.s32 $0x0, s20;
	[sflag:s22] =	ssyncset.done $0x0  }
0xa0: {  	[sflag:s22] =	ssyncadd.s32 s3;
	_ =	sdelay $0x1  }
0xa1: {  	s23 =	simm.s32 $0x1B8B  }
0xa2: {  	_ =	swait.ge [sflag:s23], $0x1  }
0xa3: {  	[sflag:s23] =	ssyncset.done $0x0  }
0xa4: {  	s25 =	simm.s32 $0x1B8E;
	s24 =	sld [smem:$0x3FFE];
	[sflag:s23] =	ssyncadd.s32 $0xFFFFFFFF  }
0xa5: {  	s26 =	simm.s32 $execute0_lowered;
	[smem:$0x3FD2] =	sst s25  }
0xa6: {  	s4 =	sshll.u32 s26, $0x1;
	_ =	strace $0x80000046;
	[dreg:$0x1] =	wrdreg $0xFFFFFFFF  }
0xa7: {  	s28 =	simm.s32 $_size_execute0_lowered;
	s2 =	sadd.s32 s2, s4;
	[dreg:$0x0] =	wrdreg $0x0  }
0xa8: {  	s4 =	sshll.u32 s28, $0x1;
	[dreg:$0x2] =	wrdreg s2  }
0xa9: {  	[dreg:$0x3] =	wrdreg s4  }
0xaa: {  	[dreg:$0x4] =	wrdreg $0xC0  }
0xab: {  	_ =	task [dreg:s6], $0x5FFFF  }
0xac: {  	[dreg:$0x1] =	wrdreg $0xFFFFFFFF  }
0xad: {  	[dreg:$0x0] =	wrdreg $0x60  }
0xae: {  	[dreg:$0x2] =	wrdreg s24  }
0xaf: {  	[dreg:$0x3] =	wrdreg $0x88000  }
0xb0: {  	[dreg:$0x4] =	wrdreg $0x9  }
0xb1: {  	_ =	task.clear_ibuf [dreg:s6], $0x5FFFF;
	_ =	strace $0x90000046  }
0xb2: {  	s29 =	simm.s32 $0x9;
	_ =	strace $0x80000048  }
0xb3: {  	_ =	swait.ge [sflag:s29], $0x1  }
0xb4: {  	[sflag:s29] =	ssyncadd.s32 $0xFFFFFFFF  }
0xb5: {  	_ =	strace $0x90000048  }
0xb6: {  	_ =	sfence  }
0xb7: {  	s30 =	sld [smem:$0x0];
	_ =	sdelay $0x2  }
0xb8: {  	s31 =	sshll.u32 s1, $0xD;
	s1 =	sshrl.u32 s1, $0x2  }
0xb9: {  	s3 =	sand.u32 $0x4000, s31;
	s1 =	sadd.s32 s1, s30  }
0xba: {  	s0 =	sor.u32 s3, s0;
	s1 =	sshll.u32 s1, $0x11  }
0xbb: {  	s0 =	sor.u32 s1, s0  }
0xbc: {  	s0 =	sadd.s32 $0x8F2B, s0  }
0xbd: {  	[sflag:s0] =	ssyncadd.remote.s32 $0x1  }
0xbe: {  	_ =	sfence.sel $0xFFFF  }
0xbf: {  	[dreg:$0x0] =	wrdreg $0xFFFFFFFF;
	(pc) =	sbr.abs _section_cstart, $3  }
0xc0: {  	[dreg:$0x1] =	wrdreg $0xFFFFFFFF  }
0xc1: {  	_ =	task.clear_ibuf [dreg:s6], $0x2FFFF;
	_ =	strace $0x9FFFFFFF  }
0xc2: {  	(tm) =	ssettm $0x7FFFFFFF  }
0xc3: {  	_ =	shalt  }
tec
execute0_lowered:
.L_overlay_start_1:
0x0: {  	(tag) =	ssettag $0x1  }
0x1: {  	s0 =	rddreg [dreg:$0x0];
	s1 =	srdreg.scid  }
0x2: {  	s13 =	stileid.u32;
	s2 =	rddreg [dreg:$0x1]  }
0x3: {  	s3 =	simm.s32 $0x0;
	s14 =	simm.s32 $0x400;
	s15 =	simm.s32 $0x80  }
0x4: {  	s24 =	simm.s32 $0x100;
	s16 =	simm.s32 $0x800;
	s25 =	simm.s32 $0x200  }
0x5: {  	s26 =	simm.s32 $0x180;
	s28 =	simm.s32 $0x580;
	s29 =	simm.s32 $0x700  }
0x6: {  	s30 =	simm.s32 $0x680;
	s31 =	simm.s32 $0x780;
	s5 =	smul.u32 $0x14000, s13  }
0x7: {  	s1 =	sand.u32 $0x1, s1;
	[smem:$0x7FF] =	sst s3;
	s10 =	smul.u32 $0x50000, s13  }
0x8: {  	s8 =	sadd.s32 $0x2A200, s0;
	s18 =	sshll.u32 s13, $0x6;
	s21 =	smul.u32 $0xA00, s13  }
0x9: {  	s4 =	smul.u32 $0x140000, s1;
	_ =	strace $0x80000047;
	[dreg:$0x3] =	wrdreg s24  }
0xa: {  	s7 =	ssub.s32 $0x2, s1;
	s9 =	sshll.u32 s1, $0x4;
	[dreg:$0x4] =	wrdreg s25  }
0xb: {  	s1 =	smul.u32 $0xA000, s1;
	[dreg:$0x5] =	wrdreg s26;
	s24 =	simm.s32 $0x500  }
0xc: {  	s25 =	simm.s32 $0x480;
	s26 =	simm.s32 $0x600;
	s17 =	sshrl.u32 s7, $0x1  }
0xd: {  	s9 =	sor.u32 s13, s9;
	s10 =	sshrl.u32 s10, $0x2;
	s13 =	simm.s32 $0x5  }
0xe: {  	s6 =	sadd.s32 s5, s4;
	s4 =	sadd.s32 $0x2200, s0;
	s5 =	sshrl.u32 s5, $0x3  }
0xf: {  	s9 =	smul.u32 $0xA00, s9;
	s11 =	ssub.s32 s7, s17;
	s12 =	sadd.s32 s10, s2  }
0x10: {  	s7 =	sor.u32 $0x1C05, s18;
	s23 =	sadd.s32 s1, s8;
	s17 =	simm.s32 $0x3  }
0x11: {  	s18 =	simm.s32 $0x4800;
	s1 =	simm.s32 $0x0;
	s6 =	sshrl.u32 s6, $0x3  }
0x12: {  	s5 =	sadd.s32 s4, s5;
	s22 =	smax.u32 s11, $0x1;
	s11 =	sadd.s32 s21, s23  }
0x13: {  	s12 =	sshrl.u32 s12, $0x3;
	s21 =	simm.s32 $0x280;
	[dreg:$0x6] =	wrdreg s5  }
0x14: {  	s23 =	simm.s32 $0x380;
	s19 =	sadd.s32 s8, s9;
	[dreg:$0xa] =	wrdreg s22  }
0x15: {  	s0 =	sadd.s32 s6, s0;
	[dreg:$0x7] =	wrdreg s19;
	s20 =	sadd.s32 $0x80, s19  }
0x16: {  	s22 =	simm.s32 $0x2;
	s0 =	sadd.s32 $0x3E200, s0;
	[dreg:$0x8] =	wrdreg s20  }
0x17: {  	s19 =	simm.s32 $0x4;
	[dreg:$0x9] =	wrdreg s0;
	s20 =	simm.s32 $0x300  }
.LBB2_1:
0x18: {  	s0 =	rddreg [dreg:$0x6]  }
0x19: {  	[spmem:s12], [sflag:s7] =	dma.local [hbm:s0], $0x2800  }
0x1a: {  	_ =	swait.ge [sflag:s13], $0x2800  }
0x1b: {  	[sflag:s13] =	ssyncset.done $0x0  }
0x1c: {  	[sflag:s13] =	ssyncadd.s32 $0xFFFFD800  }
0x1d: {  	[bflag:$0x0] =	sbarrier.arrive $0xFFFF  }
0x1e: {  	s5 =	rddreg [dreg:$0x7]  }
0x1f: {  	[tilespmem:s3], [sflag:$0x5] =	stream.linear.gather [hbm4b:s5+s3], $0x400, $0x38;
	[tilespmem:$0x1C800] =	vst v63  }
0x20: {  	_ =	swait.ge [sflag:s13], $0x400  }
0x21: {  	[sflag:s13] =	ssyncset.done $0x0  }
0x22: {  	p0 =	por $0x1, $0x1;
	s6 =	rddreg [dreg:$0x8];
	[sflag:s13] =	ssyncadd.s32 $0xFFFFFC00  }
0x23: {  	[tilespmem:s14], [sflag:$0x2] =	stream.linear.gather [hbm4b:s6+s3], $0x400, $0x38;
	[tilespmem:$0x1C800] =	vst v63  }
0x24: {  	s0 =	sadd.s32 @!p0 $0x0, s11  }
0x25: {  	[tilespmem:s16], [sflag:$0x3] =	stream.indirect.gather [hbm4b:s4+s15], $0x80, s3, s15, $0xb8;
	[tilespmem:$0x1C800] =	vst v63  }
0x26: {  	s8 =	simm.s32 @!p0 $0x400;
	s0 =	sadd.s32 @!p0 $0x80, s0;
	s5 =	simm.s32 @!p0 $0x0  }
0x27: {  	[tilespmem:s8], [sflag:$0x2] =	stream.linear.gather @!p0 [hbm4b:s0+s5], $0x400, $0x38;
	[tilespmem:$0x1C800] =	vst v63  }
0x28: {  	_ =	swait.ge [sflag:s17], $0x4000  }
0x29: {  	[sflag:s17] =	ssyncset.done $0x0  }
0x2a: {  	s8 =	rddreg [dreg:$0x3];
	[sflag:s17] =	ssyncadd.s32 $0xFFFFC000  }
0x2b: {  	[tilespmem:s18], [sflag:$0x4] =	stream.indirect.gather [hbm4b:s4+s15], $0x80, s8, s15, $0xb8;
	[tilespmem:$0x1C800] =	vst v63  }
0x2c: {  	_ = 	snop  }
0x2d: {  	[spmem:s2] =	stream.indirect.scatter.add.f32 [tilespmem:s16], [sflag:$0x5], $0x80, s15, s15, $0xb8;
	[tilespmem:$0x1C800] =	vst v63  }
0x2e: {  	_ =	swait.ge [sflag:s13], $0x4000  }
0x2f: {  	[sflag:s13] =	ssyncset.done $0x0  }
0x30: {  	[sflag:s13] =	ssyncadd.s32 $0xFFFFC000  }
0x31: {  	_ =	swait.ge [sflag:s19], $0x4000  }
0x32: {  	[sflag:s19] =	ssyncset.done $0x0  }
0x33: {  	s9 =	rddreg [dreg:$0x4];
	[sflag:s19] =	ssyncadd.s32 $0xFFFFC000  }
0x34: {  	[tilespmem:s16], [sflag:$0x3] =	stream.indirect.gather [hbm4b:s4+s15], $0x80, s9, s15, $0xb8;
	[tilespmem:$0x1C800] =	vst v63  }
0x35: {  	s10 =	rddreg [dreg:$0x5]  }
0x36: {  	[spmem:s2] =	stream.indirect.scatter.add.f32 [tilespmem:s18], [sflag:$0x5], $0x80, s10, s15, $0xb8;
	[tilespmem:$0x1C800] =	vst v63  }
0x37: {  	_ =	swait.ge [sflag:s13], $0x4000  }
0x38: {  	[sflag:s13] =	ssyncset.done $0x0  }
0x39: {  	[sflag:s13] =	ssyncadd.s32 $0xFFFFC000  }
0x3a: {  	_ =	swait.ge [sflag:s17], $0x4000  }
0x3b: {  	[sflag:s17] =	ssyncset.done $0x0  }
0x3c: {  	[sflag:s17] =	ssyncadd.s32 $0xFFFFC000  }
0x3d: {  	[tilespmem:s18], [sflag:$0x4] =	stream.indirect.gather [hbm4b:s4+s15], $0x80, s20, s15, $0xb8;
	[tilespmem:$0x1C800] =	vst v63  }
0x3e: {  	_ = 	snop  }
0x3f: {  	[spmem:s2] =	stream.indirect.scatter.add.f32 [tilespmem:s16], [sflag:$0x5], $0x80, s21, s15, $0xb8;
	[tilespmem:$0x1C800] =	vst v63  }
0x40: {  	_ =	swait.ge [sflag:s13], $0x4000  }
0x41: {  	[sflag:s13] =	ssyncset.done $0x0  }
0x42: {  	[sflag:s13] =	ssyncadd.s32 $0xFFFFC000  }
0x43: {  	_ =	swait.ge [sflag:s19], $0x4000  }
0x44: {  	[sflag:s19] =	ssyncset.done $0x0  }
0x45: {  	[sflag:s19] =	ssyncadd.s32 $0xFFFFC000  }
0x46: {  	_ =	swait.ge [sflag:s22], $0x400  }
0x47: {  	[sflag:s22] =	ssyncset.done $0x0  }
0x48: {  	[sflag:s22] =	ssyncadd.s32 $0xFFFFFC00  }
0x49: {  	[tilespmem:s16], [sflag:$0x3] =	stream.indirect.gather [hbm4b:s4+s15], $0x80, s14, s15, $0xb8;
	[tilespmem:$0x1C800] =	vst v63  }
0x4a: {  	_ = 	snop  }
0x4b: {  	[spmem:s2] =	stream.indirect.scatter.add.f32 [tilespmem:s18], [sflag:$0x5], $0x80, s23, s15, $0xb8;
	[tilespmem:$0x1C800] =	vst v63  }
0x4c: {  	_ =	swait.ge [sflag:s13], $0x4000  }
0x4d: {  	[sflag:s13] =	ssyncset.done $0x0  }
0x4e: {  	[sflag:s13] =	ssyncadd.s32 $0xFFFFC000  }
0x4f: {  	p0 =	por $0x0, $0x0;
	_ =	swait.ge [sflag:s17], $0x4000  }
0x50: {  	s0 =	sadd.s32 @!p0 $0x0, s11;
	[sflag:s17] =	ssyncset.done $0x0  }
0x51: {  	s5 =	simm.s32 @!p0 $0x0;
	s0 =	sadd.s32 @!p0 $0x100, s0;
	[sflag:s17] =	ssyncadd.s32 $0xFFFFC000  }
0x52: {  	[tilespmem:s5], [sflag:$0x1] =	stream.linear.gather @!p0 [hbm4b:s0+s5], $0x400, $0x38;
	[tilespmem:$0x1C800] =	vst v63  }
0x53: {  	_ = 	snop  }
0x54: {  	[tilespmem:s18], [sflag:$0x4] =	stream.indirect.gather [hbm4b:s4+s15], $0x80, s24, s15, $0xb8;
	[tilespmem:$0x1C800] =	vst v63  }
0x55: {  	_ = 	snop  }
0x56: {  	[spmem:s2] =	stream.indirect.scatter.add.f32 [tilespmem:s16], [sflag:$0x5], $0x80, s25, s15, $0xb8;
	[tilespmem:$0x1C800] =	vst v63  }
0x57: {  	_ =	swait.ge [sflag:s13], $0x4000  }
0x58: {  	[sflag:s13] =	ssyncset.done $0x0  }
0x59: {  	[sflag:s13] =	ssyncadd.s32 $0xFFFFC000  }
0x5a: {  	_ =	swait.ge [sflag:s19], $0x4000  }
0x5b: {  	[sflag:s19] =	ssyncset.done $0x0  }
0x5c: {  	[sflag:s19] =	ssyncadd.s32 $0xFFFFC000  }
0x5d: {  	[tilespmem:s16], [sflag:$0x3] =	stream.indirect.gather [hbm4b:s4+s15], $0x80, s26, s15, $0xb8;
	[tilespmem:$0x1C800] =	vst v63  }
0x5e: {  	_ = 	snop  }
0x5f: {  	[spmem:s2] =	stream.indirect.scatter.add.f32 [tilespmem:s18], [sflag:$0x5], $0x80, s28, s15, $0xb8;
	[tilespmem:$0x1C800] =	vst v63  }
0x60: {  	_ =	swait.ge [sflag:s13], $0x4000  }
0x61: {  	[sflag:s13] =	ssyncset.done $0x0  }
0x62: {  	[sflag:s13] =	ssyncadd.s32 $0xFFFFC000  }
0x63: {  	_ =	swait.ge [sflag:s17], $0x4000  }
0x64: {  	[sflag:s17] =	ssyncset.done $0x0  }
0x65: {  	[sflag:s17] =	ssyncadd.s32 $0xFFFFC000  }
0x66: {  	[tilespmem:s18], [sflag:$0x4] =	stream.indirect.gather [hbm4b:s4+s15], $0x80, s29, s15, $0xb8;
	[tilespmem:$0x1C800] =	vst v63  }
0x67: {  	_ = 	snop  }
0x68: {  	[spmem:s2] =	stream.indirect.scatter.add.f32 [tilespmem:s16], [sflag:$0x5], $0x80, s30, s15, $0xb8;
	[tilespmem:$0x1C800] =	vst v63  }
0x69: {  	_ =	swait.ge [sflag:s13], $0x4000  }
0x6a: {  	[sflag:s13] =	ssyncset.done $0x0  }
0x6b: {  	[sflag:s13] =	ssyncadd.s32 $0xFFFFC000  }
0x6c: {  	_ =	swait.ge [sflag:s19], $0x4000  }
0x6d: {  	[sflag:s19] =	ssyncset.done $0x0  }
0x6e: {  	s0 =	simm.s32 @!p0 $0x1;
	[sflag:s19] =	ssyncadd.s32 $0xFFFFC000  }
0x6f: {  	_ =	swait.ge @!p0 [sflag:s0], $0x400  }
0x70: {  	[sflag:s0] =	ssyncset.done @!p0 $0x0  }
0x71: {  	s8 =	simm.s32 @!p0 $0x800;
	[sflag:s0] =	ssyncadd.s32 @!p0 $0xFFFFFC00;
	s0 =	simm.s32 @!p0 $0x80  }
0x72: {  	[tilespmem:s8], [sflag:$0x3] =	stream.indirect.gather @!p0 [hbm4b:s4+s0], $0x80, s5, s0, $0xb8;
	[tilespmem:$0x1C800] =	vst v63  }
0x73: {  	_ = 	snop  }
0x74: {  	[spmem:s2] =	stream.indirect.scatter.add.f32 [tilespmem:s18], [sflag:$0x5], $0x80, s31, s15, $0xb8;
	[tilespmem:$0x1C800] =	vst v63  }
0x75: {  	p1 =	por $0x0, $0x0;
	_ =	swait.ge [sflag:s13], $0x4000  }
0x76: {  	s0 =	simm.s32 $0x100;
	s5 =	simm.s32 $0x200;
	[sflag:s13] =	ssyncset.done $0x0  }
.LBB2_2:
0x77: {  	s9 =	sadd.s32 @!p1 s0, s11;
	[sflag:s13] =	ssyncadd.s32 $0xFFFFC000  }
0x78: {  	s10 =	simm.s32 @!p1 $0x0;
	s6 =	simm.s32 @!p1 $0x400;
	s9 =	sadd.s32 @!p1 $0x80, s9  }
0x79: {  	[tilespmem:s6], [sflag:$0x2] =	stream.linear.gather @!p1 [hbm4b:s9+s10], $0x400, $0x38;
	[tilespmem:$0x1C800] =	vst v63  }
0x7a: {  	_ =	swait.ge [sflag:s17], $0x4000  }
0x7b: {  	[sflag:s17] =	ssyncset.done $0x0  }
0x7c: {  	s10 =	rddreg [dreg:$0x3];
	[sflag:s17] =	ssyncadd.s32 $0xFFFFC000  }
0x7d: {  	[tilespmem:s18], [sflag:$0x4] =	stream.indirect.gather [hbm4b:s4+s15], $0x80, s10, s15, $0xb8;
	[tilespmem:$0x1C800] =	vst v63  }
0x7e: {  	_ = 	snop  }
0x7f: {  	[spmem:s2] =	stream.indirect.scatter.add.f32 [tilespmem:s16], [sflag:$0x5], $0x80, s15, s15, $0xb8;
	[tilespmem:$0x1C800] =	vst v63  }
0x80: {  	_ =	swait.ge [sflag:s13], $0x4000  }
0x81: {  	[sflag:s13] =	ssyncset.done $0x0  }
0x82: {  	[sflag:s13] =	ssyncadd.s32 $0xFFFFC000  }
0x83: {  	_ =	swait.ge [sflag:s19], $0x4000  }
0x84: {  	[sflag:s19] =	ssyncset.done $0x0  }
0x85: {  	s9 =	rddreg [dreg:$0x4];
	[sflag:s19] =	ssyncadd.s32 $0xFFFFC000  }
0x86: {  	[tilespmem:s16], [sflag:$0x3] =	stream.indirect.gather [hbm4b:s4+s15], $0x80, s9, s15, $0xb8;
	[tilespmem:$0x1C800] =	vst v63  }
0x87: {  	s10 =	rddreg [dreg:$0x5]  }
0x88: {  	[spmem:s2] =	stream.indirect.scatter.add.f32 [tilespmem:s18], [sflag:$0x5], $0x80, s10, s15, $0xb8;
	[tilespmem:$0x1C800] =	vst v63  }
0x89: {  	_ =	swait.ge [sflag:s13], $0x4000  }
0x8a: {  	[sflag:s13] =	ssyncset.done $0x0  }
0x8b: {  	[sflag:s13] =	ssyncadd.s32 $0xFFFFC000  }
0x8c: {  	_ =	swait.ge [sflag:s17], $0x4000  }
0x8d: {  	[sflag:s17] =	ssyncset.done $0x0  }
0x8e: {  	[sflag:s17] =	ssyncadd.s32 $0xFFFFC000  }
0x8f: {  	[tilespmem:s18], [sflag:$0x4] =	stream.indirect.gather [hbm4b:s4+s15], $0x80, s20, s15, $0xb8;
	[tilespmem:$0x1C800] =	vst v63  }
0x90: {  	_ = 	snop  }
0x91: {  	[spmem:s2] =	stream.indirect.scatter.add.f32 [tilespmem:s16], [sflag:$0x5], $0x80, s21, s15, $0xb8;
	[tilespmem:$0x1C800] =	vst v63  }
0x92: {  	_ =	swait.ge [sflag:s13], $0x4000  }
0x93: {  	[sflag:s13] =	ssyncset.done $0x0  }
0x94: {  	[sflag:s13] =	ssyncadd.s32 $0xFFFFC000  }
0x95: {  	_ =	swait.ge [sflag:s19], $0x4000  }
0x96: {  	[sflag:s19] =	ssyncset.done $0x0  }
0x97: {  	[sflag:s19] =	ssyncadd.s32 $0xFFFFC000  }
0x98: {  	_ =	swait.ge [sflag:s22], $0x400  }
0x99: {  	[sflag:s22] =	ssyncset.done $0x0  }
0x9a: {  	[sflag:s22] =	ssyncadd.s32 $0xFFFFFC00  }
0x9b: {  	[tilespmem:s16], [sflag:$0x3] =	stream.indirect.gather [hbm4b:s4+s15], $0x80, s14, s15, $0xb8;
	[tilespmem:$0x1C800] =	vst v63  }
0x9c: {  	_ = 	snop  }
0x9d: {  	[spmem:s2] =	stream.indirect.scatter.add.f32 [tilespmem:s18], [sflag:$0x5], $0x80, s23, s15, $0xb8;
	[tilespmem:$0x1C800] =	vst v63  }
0x9e: {  	_ =	swait.ge [sflag:s13], $0x4000  }
0x9f: {  	[sflag:s13] =	ssyncset.done $0x0  }
0xa0: {  	[sflag:s13] =	ssyncadd.s32 $0xFFFFC000  }
0xa1: {  	s8 =	smov.u32 s5;
	p1 =	seq.s32 s0, $0x900;
	_ =	swait.ge [sflag:s17], $0x4000  }
0xa2: {  	s6 =	sadd.s32 @!p1 s0, s11;
	s0 =	smov.u32 s8;
	[sflag:s17] =	ssyncset.done $0x0  }
0xa3: {  	s8 =	simm.s32 @!p1 $0x0;
	s6 =	sadd.s32 @!p1 $0x100, s6;
	[sflag:s17] =	ssyncadd.s32 $0xFFFFC000  }
0xa4: {  	[tilespmem:s8], [sflag:$0x1] =	stream.linear.gather @!p1 [hbm4b:s6+s8], $0x400, $0x38;
	[tilespmem:$0x1C800] =	vst v63  }
0xa5: {  	_ = 	snop  }
0xa6: {  	[tilespmem:s18], [sflag:$0x4] =	stream.indirect.gather [hbm4b:s4+s15], $0x80, s24, s15, $0xb8;
	[tilespmem:$0x1C800] =	vst v63  }
0xa7: {  	_ = 	snop  }
0xa8: {  	[spmem:s2] =	stream.indirect.scatter.add.f32 [tilespmem:s16], [sflag:$0x5], $0x80, s25, s15, $0xb8;
	[tilespmem:$0x1C800] =	vst v63  }
0xa9: {  	_ =	swait.ge [sflag:s13], $0x4000  }
0xaa: {  	[sflag:s13] =	ssyncset.done $0x0  }
0xab: {  	[sflag:s13] =	ssyncadd.s32 $0xFFFFC000  }
0xac: {  	_ =	swait.ge [sflag:s19], $0x4000  }
0xad: {  	[sflag:s19] =	ssyncset.done $0x0  }
0xae: {  	[sflag:s19] =	ssyncadd.s32 $0xFFFFC000  }
0xaf: {  	[tilespmem:s16], [sflag:$0x3] =	stream.indirect.gather [hbm4b:s4+s15], $0x80, s26, s15, $0xb8;
	[tilespmem:$0x1C800] =	vst v63  }
0xb0: {  	_ = 	snop  }
0xb1: {  	[spmem:s2] =	stream.indirect.scatter.add.f32 [tilespmem:s18], [sflag:$0x5], $0x80, s28, s15, $0xb8;
	[tilespmem:$0x1C800] =	vst v63  }
0xb2: {  	_ =	swait.ge [sflag:s13], $0x4000  }
0xb3: {  	[sflag:s13] =	ssyncset.done $0x0  }
0xb4: {  	[sflag:s13] =	ssyncadd.s32 $0xFFFFC000  }
0xb5: {  	_ =	swait.ge [sflag:s17], $0x4000  }
0xb6: {  	[sflag:s17] =	ssyncset.done $0x0  }
0xb7: {  	[sflag:s17] =	ssyncadd.s32 $0xFFFFC000  }
0xb8: {  	[tilespmem:s18], [sflag:$0x4] =	stream.indirect.gather [hbm4b:s4+s15], $0x80, s29, s15, $0xb8;
	[tilespmem:$0x1C800] =	vst v63  }
0xb9: {  	_ = 	snop  }
0xba: {  	[spmem:s2] =	stream.indirect.scatter.add.f32 [tilespmem:s16], [sflag:$0x5], $0x80, s30, s15, $0xb8;
	[tilespmem:$0x1C800] =	vst v63  }
0xbb: {  	_ =	swait.ge [sflag:s13], $0x4000  }
0xbc: {  	[sflag:s13] =	ssyncset.done $0x0  }
0xbd: {  	[sflag:s13] =	ssyncadd.s32 $0xFFFFC000  }
0xbe: {  	_ =	swait.ge [sflag:s19], $0x4000  }
0xbf: {  	[sflag:s19] =	ssyncset.done $0x0  }
0xc0: {  	s6 =	simm.s32 @!p1 $0x1;
	[sflag:s19] =	ssyncadd.s32 $0xFFFFC000  }
0xc1: {  	s5 =	sadd.s32 $0x100, s5;
	_ =	swait.ge @!p1 [sflag:s6], $0x400  }
0xc2: {  	p0 =	sne.s32 s5, $0xA00;
	[sflag:s6] =	ssyncset.done @!p1 $0x0  }
0xc3: {  	s9 =	simm.s32 @!p1 $0x800;
	[sflag:s6] =	ssyncadd.s32 @!p1 $0xFFFFFC00;
	s6 =	simm.s32 @!p1 $0x80  }
0xc4: {  	[tilespmem:s9], [sflag:$0x3] =	stream.indirect.gather @!p1 [hbm4b:s4+s6], $0x80, s8, s6, $0xb8;
	[tilespmem:$0x1C800] =	vst v63  }
.Ltmp0:
0xc5: {  	_ = 	snop;
	(pc) =	sbr.rel @p0 .LBB2_2-.Ltmp0, $4  }
0xc6: {  	_ = 	snop  }
0xc7: {  	[spmem:s2] =	stream.indirect.scatter.add.f32 [tilespmem:s18], [sflag:$0x5], $0x80, s31, s15, $0xb8;
	[tilespmem:$0x1C800] =	vst v63  }
0xc8: {  	_ =	swait.ge [sflag:s13], $0x4000  }
0xc9: {  	p1 =	seq.s32 s0, $0x0;
	[sflag:s13] =	ssyncset.done $0x0  }
0xca: {  	s5 =	sadd.s32 @!p1 s0, s11;
	[sflag:s13] =	ssyncadd.s32 $0xFFFFC000  }
0xcb: {  	s6 =	simm.s32 @!p1 $0x0;
	s8 =	simm.s32 @!p1 $0x400;
	s5 =	sadd.s32 @!p1 $0x80, s5  }
0xcc: {  	[tilespmem:s8], [sflag:$0x2] =	stream.linear.gather @!p1 [hbm4b:s5+s6], $0x400, $0x38;
	[tilespmem:$0x1C800] =	vst v63  }
0xcd: {  	_ =	swait.ge [sflag:s17], $0x4000  }
0xce: {  	[sflag:s17] =	ssyncset.done $0x0  }
0xcf: {  	s10 =	rddreg [dreg:$0x3];
	[sflag:s17] =	ssyncadd.s32 $0xFFFFC000  }
0xd0: {  	[tilespmem:s18], [sflag:$0x4] =	stream.indirect.gather [hbm4b:s4+s15], $0x80, s10, s15, $0xb8;
	[tilespmem:$0x1C800] =	vst v63  }
0xd1: {  	_ = 	snop  }
0xd2: {  	[spmem:s2] =	stream.indirect.scatter.add.f32 [tilespmem:s16], [sflag:$0x5], $0x80, s15, s15, $0xb8;
	[tilespmem:$0x1C800] =	vst v63  }
0xd3: {  	_ =	swait.ge [sflag:s13], $0x4000  }
0xd4: {  	[sflag:s13] =	ssyncset.done $0x0  }
0xd5: {  	[sflag:s13] =	ssyncadd.s32 $0xFFFFC000  }
0xd6: {  	_ =	swait.ge [sflag:s19], $0x4000  }
0xd7: {  	[sflag:s19] =	ssyncset.done $0x0  }
0xd8: {  	s6 =	rddreg [dreg:$0x4];
	[sflag:s19] =	ssyncadd.s32 $0xFFFFC000  }
0xd9: {  	[tilespmem:s16], [sflag:$0x3] =	stream.indirect.gather [hbm4b:s4+s15], $0x80, s6, s15, $0xb8;
	[tilespmem:$0x1C800] =	vst v63  }
0xda: {  	s8 =	rddreg [dreg:$0x5]  }
0xdb: {  	[spmem:s2] =	stream.indirect.scatter.add.f32 [tilespmem:s18], [sflag:$0x5], $0x80, s8, s15, $0xb8;
	[tilespmem:$0x1C800] =	vst v63  }
0xdc: {  	_ =	swait.ge [sflag:s13], $0x4000  }
0xdd: {  	[sflag:s13] =	ssyncset.done $0x0  }
0xde: {  	[sflag:s13] =	ssyncadd.s32 $0xFFFFC000  }
0xdf: {  	_ =	swait.ge [sflag:s17], $0x4000  }
0xe0: {  	[sflag:s17] =	ssyncset.done $0x0  }
0xe1: {  	[sflag:s17] =	ssyncadd.s32 $0xFFFFC000  }
0xe2: {  	[tilespmem:s18], [sflag:$0x4] =	stream.indirect.gather [hbm4b:s4+s15], $0x80, s20, s15, $0xb8;
	[tilespmem:$0x1C800] =	vst v63  }
0xe3: {  	_ = 	snop  }
0xe4: {  	[spmem:s2] =	stream.indirect.scatter.add.f32 [tilespmem:s16], [sflag:$0x5], $0x80, s21, s15, $0xb8;
	[tilespmem:$0x1C800] =	vst v63  }
0xe5: {  	_ =	swait.ge [sflag:s13], $0x4000  }
0xe6: {  	[sflag:s13] =	ssyncset.done $0x0  }
0xe7: {  	[sflag:s13] =	ssyncadd.s32 $0xFFFFC000  }
0xe8: {  	_ =	swait.ge [sflag:s19], $0x4000  }
0xe9: {  	[sflag:s19] =	ssyncset.done $0x0  }
0xea: {  	[sflag:s19] =	ssyncadd.s32 $0xFFFFC000  }
0xeb: {  	_ =	swait.ge [sflag:s22], $0x400  }
0xec: {  	[sflag:s22] =	ssyncset.done $0x0  }
0xed: {  	[sflag:s22] =	ssyncadd.s32 $0xFFFFFC00  }
0xee: {  	[tilespmem:s16], [sflag:$0x3] =	stream.indirect.gather [hbm4b:s4+s15], $0x80, s14, s15, $0xb8;
	[tilespmem:$0x1C800] =	vst v63  }
0xef: {  	_ = 	snop  }
0xf0: {  	[spmem:s2] =	stream.indirect.scatter.add.f32 [tilespmem:s18], [sflag:$0x5], $0x80, s23, s15, $0xb8;
	[tilespmem:$0x1C800] =	vst v63  }
0xf1: {  	_ =	swait.ge [sflag:s13], $0x4000  }
0xf2: {  	[sflag:s13] =	ssyncset.done $0x0  }
0xf3: {  	[sflag:s13] =	ssyncadd.s32 $0xFFFFC000  }
0xf4: {  	p0 =	seq.s32 s0, $0x900;
	_ =	swait.ge [sflag:s17], $0x4000  }
0xf5: {  	s0 =	sadd.s32 @!p0 s0, s11;
	[sflag:s17] =	ssyncset.done $0x0  }
0xf6: {  	s0 =	sadd.s32 @!p0 $0x100, s0;
	s5 =	simm.s32 @!p0 $0x0;
	[sflag:s17] =	ssyncadd.s32 $0xFFFFC000  }
0xf7: {  	[tilespmem:s5], [sflag:$0x1] =	stream.linear.gather @!p0 [hbm4b:s0+s5], $0x400, $0x38;
	[tilespmem:$0x1C800] =	vst v63  }
0xf8: {  	_ = 	snop  }
0xf9: {  	[tilespmem:s18], [sflag:$0x4] =	stream.indirect.gather [hbm4b:s4+s15], $0x80, s24, s15, $0xb8;
	[tilespmem:$0x1C800] =	vst v63  }
0xfa: {  	_ = 	snop  }
0xfb: {  	[spmem:s2] =	stream.indirect.scatter.add.f32 [tilespmem:s16], [sflag:$0x5], $0x80, s25, s15, $0xb8;
	[tilespmem:$0x1C800] =	vst v63  }
0xfc: {  	_ =	swait.ge [sflag:s13], $0x4000  }
0xfd: {  	[sflag:s13] =	ssyncset.done $0x0  }
0xfe: {  	[sflag:s13] =	ssyncadd.s32 $0xFFFFC000  }
0xff: {  	_ =	swait.ge [sflag:s19], $0x4000  }
0x100: {  	[sflag:s19] =	ssyncset.done $0x0  }
0x101: {  	[sflag:s19] =	ssyncadd.s32 $0xFFFFC000  }
0x102: {  	[tilespmem:s16], [sflag:$0x3] =	stream.indirect.gather [hbm4b:s4+s15], $0x80, s26, s15, $0xb8;
	[tilespmem:$0x1C800] =	vst v63  }
0x103: {  	_ = 	snop  }
0x104: {  	[spmem:s2] =	stream.indirect.scatter.add.f32 [tilespmem:s18], [sflag:$0x5], $0x80, s28, s15, $0xb8;
	[tilespmem:$0x1C800] =	vst v63  }
0x105: {  	_ =	swait.ge [sflag:s13], $0x4000  }
0x106: {  	[sflag:s13] =	ssyncset.done $0x0  }
0x107: {  	[sflag:s13] =	ssyncadd.s32 $0xFFFFC000  }
0x108: {  	_ =	swait.ge [sflag:s17], $0x4000  }
0x109: {  	[sflag:s17] =	ssyncset.done $0x0  }
0x10a: {  	[sflag:s17] =	ssyncadd.s32 $0xFFFFC000  }
0x10b: {  	[tilespmem:s18], [sflag:$0x4] =	stream.indirect.gather [hbm4b:s4+s15], $0x80, s29, s15, $0xb8;
	[tilespmem:$0x1C800] =	vst v63  }
0x10c: {  	_ = 	snop  }
0x10d: {  	[spmem:s2] =	stream.indirect.scatter.add.f32 [tilespmem:s16], [sflag:$0x5], $0x80, s30, s15, $0xb8;
	[tilespmem:$0x1C800] =	vst v63  }
0x10e: {  	_ =	swait.ge [sflag:s13], $0x4000  }
0x10f: {  	[sflag:s13] =	ssyncset.done $0x0  }
0x110: {  	[sflag:s13] =	ssyncadd.s32 $0xFFFFC000  }
0x111: {  	_ =	swait.ge [sflag:s19], $0x4000  }
0x112: {  	[sflag:s19] =	ssyncset.done $0x0  }
0x113: {  	s0 =	simm.s32 @!p0 $0x1;
	[sflag:s19] =	ssyncadd.s32 $0xFFFFC000  }
0x114: {  	_ =	swait.ge @!p0 [sflag:s0], $0x400  }
0x115: {  	[sflag:s0] =	ssyncset.done @!p0 $0x0  }
0x116: {  	s6 =	simm.s32 @!p0 $0x800;
	[sflag:s0] =	ssyncadd.s32 @!p0 $0xFFFFFC00;
	s0 =	simm.s32 @!p0 $0x80  }
0x117: {  	[tilespmem:s6], [sflag:$0x3] =	stream.indirect.gather @!p0 [hbm4b:s4+s0], $0x80, s5, s0, $0xb8;
	[tilespmem:$0x1C800] =	vst v63  }
0x118: {  	_ = 	snop  }
0x119: {  	[spmem:s2] =	stream.indirect.scatter.add.f32 [tilespmem:s18], [sflag:$0x5], $0x80, s31, s15, $0xb8;
	[tilespmem:$0x1C800] =	vst v63  }
0x11a: {  	_ =	swait.ge [sflag:s13], $0x4000  }
0x11b: {  	[sflag:s13] =	ssyncset.done $0x0  }
0x11c: {  	[sflag:s13] =	ssyncadd.s32 $0xFFFFC000  }
0x11d: {  	[bflag:$0x0] =	sbarrier.arrive $0xFFFF  }
0x11e: {  	s9 =	rddreg [dreg:$0x9]  }
0x11f: {  	[hbm:s9], [sflag:s7] =	dma.local [spmem:s12], $0x2800  }
0x120: {  	_ =	swait.ge [sflag:s13], $0x2800  }
0x121: {  	s1 =	sadd.s32 $0x1, s1;
	s10 =	rddreg [dreg:$0xa]  }
0x122: {  	p0 =	sne.s32 s1, s10  }
.Ltmp1:
0x123: {  	_ = 	snop;
	(pc) =	sbr.rel @p0 .LBB2_1-.Ltmp1, $3  }
0x124: {  	_ =	sdelay $0x1  }
0x125: {  	[sflag:s13] =	ssyncset.done $0x0  }
0x126: {  	[sflag:s13] =	ssyncadd.s32 $0xFFFFD800  }
0x127: {  	_ =	sfence.sel $0x180000  }
0x128: {  	[bflag:$0x0] =	sbarrier.arrive $0xFFFF  }
0x129: {  	_ =	strace $0x90000047  }
0x12a: {  	s0 =	stileid.u32;
	[bflag:$0x2] =	sbarrier.arrive $0xFFFF  }
0x12b: {  	p0 =	sne.s32 s0, $0x0;
	s0 =	rddreg [dreg:$0x2]  }
0x12c: {  	s0 =	sadd.s32 @!p0 $0x100000, s0  }
0x12d: {  	[sflag:s0] =	ssyncadd.tile.s32 @!p0 $0x1;
	_ =	shalt  }
.Lfunc_end2:
_tile_overlayer_lowered:
.L_overlay_start_2:
0x12e: {  	(tag) =	ssettag $0x2  }
0x12f: {  	s0 =	rddreg [dreg:$0x0];
	s2 =	stileid.u32  }
0x130: {  	s1 =	rddreg [dreg:$0x1];
	p0 =	sne.s32 s2, $0x0  }
0x131: {  	s3 =	rddreg [dreg:$0x2];
	[bflag:$0x3] =	sbarrier.arrive $0xFFFF;
	s2 =	simm.s32 @!p0 $0x1C05  }
0x132: {  	[timem:s3], [sflag:s2] =	dma.local @!p0 [hbm:s0], s1  }
0x133: {  	s0 =	simm.s32 @!p0 $0x5  }
0x134: {  	_ =	swait.ge @!p0 [sflag:s0], s1  }
0x135: {  	s1 =	ssub.s32 @!p0 $0x0, s1;
	[sflag:s0] =	ssyncset.done @!p0 $0x0  }
0x136: {  	[sflag:s0] =	ssyncadd.s32 @!p0 s1  }
0x137: {  	[bflag:$0x3] =	sbarrier.arrive $0xFFFF  }
0x138: {  	_ =	shalt  }

// kernel: kernel.9.cloned.1.call-start
scs
__scs_entry_jumppad:
0x0: {  	(pc) =	sbr.rel $0x88, $3  }
0x1: {  	(tag) =	ssettag $0x0;
	lr =	simm.s32 $0x1  }
0x2: {  	[smem:$0x3F99] =	sst lr;
	_ =	strace $0xD0000000  }
0x3: {  	_ = 	snop  }
0x4: {  	_ = 	snop  }
0x5: {  	_ = 	snop  }
0x6: {  	_ = 	snop  }
0x7: {  	_ = 	snop  }
__scs_overlays_trampoline_lowered:
0x8: {  	[smem:$0x3FA8] =	sst s0  }
0x9: {  	[smem:$0x3FA9] =	sst s1  }
0xa: {  	[smem:$0x3FAA] =	sst s2  }
0xb: {  	[smem:$0x3FAB] =	sst s3  }
0xc: {  	[smem:$0x3FAC] =	sst s4  }
0xd: {  	[smem:$0x3FAD] =	sst s5  }
0xe: {  	[smem:$0x3FAE] =	sst s6  }
0xf: {  	[smem:$0x3FAF] =	sst s7  }
0x10: {  	[smem:$0x3FB0] =	sst s8  }
0x11: {  	[smem:$0x3FB1] =	sst s9;
	s0 =	simm.s32 @!p0 $0x0  }
0x12: {  	s1 =	sld [smem:$0x3F97];
	s0 =	simm.s32 @p0 $0x1  }
0x13: {  	[smem:$0x3FB2] =	sst s0;
	s0 =	simm.s32 @!p1 $0x0  }
0x14: {  	s2 =	sld [smem:$0x3F96];
	s0 =	simm.s32 @p1 $0x1  }
0x15: {  	[smem:$0x3FB3] =	sst s0;
	s0 =	simm.s32 @!p2 $0x0  }
0x16: {  	s3 =	sld [smem:$0x3FDB];
	s0 =	simm.s32 @p2 $0x1  }
0x17: {  	s4 =	simm.s32 $0x1BF5;
	[smem:$0x3FB5] =	sst s0  }
0x18: {  	s0 =	sld [smem:$0x3F98];
	_ =	swait.ge [sflag:s4], $0x0  }
0x19: {  	s7 =	sld [smem:$0x3F99]  }
0x1a: {  	s8 =	sadd.s32 $0xFFFFE003, lr  }
0x1b: {  	s9 =	sadd.s32 $0xFFFFFEF7, lr;
	s5 =	simm.s32 $0xFFFFFFFF;
	p2 =	slt.u32 s8, $0xFFFFF086  }
0x1c: {  	p1 =	slt.u32 s9, $0xF7A;
	s5 =	simm.s32 @!p2 $0x0  }
0x1d: {  	s5 =	simm.s32 @p1 $0x1;
	p0 =	seq.s32 s7, s2  }
0x1e: {  	s7 =	smul.u32 @!p0 $0xF7A, s2;
	p2 =	seq.s32 @!p0 s5, $0x0  }
0x1f: {  	s9 =	smul.u32 $0xF7A, s1;
	s8 =	simm.s32 @!p0 $0x1BF5;
	p2 =	por !p2, p0  }
0x20: {  	[sflag:s8] =	ssyncset.s32 @!p0 $0xFFFFF086;
	s6 =	sadd.s32 @!p0 s3, s7;
	s7 =	simm.s32 @!p0 $0x108  }
0x21: {  	s3 =	sadd.s32 s3, s9;
	s6 =	sadd.s32 @!p0 $0x88, s6;
	s7 =	simm.s32 @p2 $0x1082  }
0x22: {  	[simem:s7], [sflag:s8] =	dma.local @!p0 [hbm:s6], $0xF7A  }
0x23: {  	s9 =	sor.u32 $0xD0000000, s2;
	s6 =	simm.s32 $0x108;
	_ =	swait.ge @!p0 [sflag:s8], $0x0  }
0x24: {  	s3 =	sadd.s32 $0x88, s3;
	s6 =	simm.s32 @!p1 $0x1082;
	[sflag:s4] =	ssyncset.s32 $0xFFFFF086  }
0x25: {  	[simem:s6], [sflag:s4] =	dma.local [hbm:s3], $0xF7A  }
0x26: {  	[smem:$0x3F99] =	sst s1;
	(tag) =	ssettag s2;
	_ =	strace s9  }
0x27: {  	s1 =	sld [smem:$0x3FA9]  }
0x28: {  	s2 =	sld [smem:$0x3FAA]  }
0x29: {  	s4 =	sld [smem:$0x3FAC]  }
0x2a: {  	p0 =	seq.s32 s5, $0x0;
	s5 =	sld [smem:$0x3FAD]  }
0x2b: {  	s6 =	sld [smem:$0x3FAE]  }
0x2c: {  	s7 =	sld [smem:$0x3FAF]  }
0x2d: {  	s3 =	simm.s32 $0x108;
	s8 =	sld [smem:$0x3FB0]  }
0x2e: {  	s3 =	simm.s32 @!p0 $0x1082;
	s9 =	sld [smem:$0x3FB1]  }
0x2f: {  	lr =	sadd.s32 s0, s3;
	s0 =	sld [smem:$0x3FA8]  }
0x30: {  	s3 =	sld [smem:$0x3FAB]  }
0x31: {  	[smem:$0x3FB4] =	sst s10  }
0x32: {  	s10 =	sld [smem:$0x3FB2];
	_ =	sdelay $0x3  }
0x33: {  	p0 =	seq.s32 s10, $0x1;
	s10 =	sld [smem:$0x3FB4];
	_ =	sdelay $0x3  }
0x34: {  	[smem:$0x3FB4] =	sst s10  }
0x35: {  	s10 =	sld [smem:$0x3FB3];
	_ =	sdelay $0x3  }
0x36: {  	p1 =	seq.s32 s10, $0x1;
	s10 =	sld [smem:$0x3FB4];
	_ =	sdelay $0x3  }
0x37: {  	[smem:$0x3FB4] =	sst s10  }
0x38: {  	s10 =	sld [smem:$0x3FB5]  }
0x39: {  	_ = 	snop;
	(pc) =	sbr.ind lr, $3  }
0x3a: {  	_ = 	snop  }
0x3b: {  	_ = 	snop  }
0x3c: {  	p2 =	seq.s32 s10, $0x1;
	s10 =	sld [smem:$0x3FB4]  }
0x3d: {  	_ =	shalt  }
0x3e: {  	_ =	shalt  }
0x3f: {  	_ =	shalt  }
0x40: {  	_ =	shalt  }
0x41: {  	_ =	shalt  }
0x42: {  	_ =	shalt  }
0x43: {  	_ =	shalt  }
0x44: {  	_ =	shalt  }
0x45: {  	_ =	shalt  }
0x46: {  	_ =	shalt  }
0x47: {  	_ =	shalt  }
0x48: {  	_ =	shalt  }
0x49: {  	_ =	shalt  }
0x4a: {  	_ =	shalt  }
0x4b: {  	_ =	shalt  }
0x4c: {  	_ =	shalt  }
0x4d: {  	_ =	shalt  }
0x4e: {  	_ =	shalt  }
0x4f: {  	_ =	shalt  }
0x50: {  	_ =	shalt  }
0x51: {  	_ =	shalt  }
0x52: {  	_ =	shalt  }
0x53: {  	_ =	shalt  }
0x54: {  	_ =	shalt  }
0x55: {  	_ =	shalt  }
0x56: {  	_ =	shalt  }
0x57: {  	_ =	shalt  }
0x58: {  	_ =	shalt  }
0x59: {  	_ =	shalt  }
0x5a: {  	_ =	shalt  }
0x5b: {  	_ =	shalt  }
0x5c: {  	_ =	shalt  }
0x5d: {  	_ =	shalt  }
0x5e: {  	_ =	shalt  }
0x5f: {  	_ =	shalt  }
0x60: {  	_ =	shalt  }
0x61: {  	_ =	shalt  }
0x62: {  	_ =	shalt  }
0x63: {  	_ =	shalt  }
0x64: {  	_ =	shalt  }
0x65: {  	_ =	shalt  }
0x66: {  	_ =	shalt  }
0x67: {  	_ =	shalt  }
0x68: {  	_ =	shalt  }
0x69: {  	_ =	shalt  }
0x6a: {  	_ =	shalt  }
0x6b: {  	_ =	shalt  }
0x6c: {  	_ =	shalt  }
0x6d: {  	_ =	shalt  }
0x6e: {  	_ =	shalt  }
0x6f: {  	_ =	shalt  }
0x70: {  	_ =	shalt  }
0x71: {  	_ =	shalt  }
0x72: {  	_ =	shalt  }
0x73: {  	_ =	shalt  }
0x74: {  	_ =	shalt  }
0x75: {  	_ =	shalt  }
0x76: {  	_ =	shalt  }
0x77: {  	_ =	shalt  }
0x78: {  	_ =	shalt  }
0x79: {  	_ =	shalt  }
0x7a: {  	_ =	shalt  }
0x7b: {  	_ =	shalt  }
0x7c: {  	_ =	shalt  }
0x7d: {  	_ =	shalt  }
0x7e: {  	_ =	shalt  }
0x7f: {  	_ =	shalt  }
0x80: {  	_ =	shalt  }
0x81: {  	_ =	shalt  }
0x82: {  	_ =	shalt  }
0x83: {  	_ =	shalt  }
0x84: {  	_ =	shalt  }
0x85: {  	_ =	shalt  }
0x86: {  	_ =	shalt  }
0x87: {  	_ =	shalt  }
.Lfunc_end0:
.L_simem_size_0:
called_computation.1_lowered:
.L_overlay_start_0:
0x88: {  	s2 =	sld [smem:$0x3FD9]  }
0x89: {  	s3 =	sld [smem:$0x3FFE];
	_ =	sdelay $0x1  }
0x8a: {  	s1 =	srdreg.scid  }
0x8b: {  	s0 =	sand.u32 $0x1, s1  }
0x8c: {  	s16 =	sshll.u32 s0, $0xA;
	s2 =	sadd.s32 s3, s2  }
0x8d: {  	s2 =	sadd.s32 s2, s16  }
0x8e: {  	[smem:$0x3FC0] =	sst s2  }
0x8f: {  	_ = 	snop  }
0x90: {  	(tm) =	ssettm $0x1  }
0x91: {  	s17 =	sld [smem:$0x3FFB];
	_ =	sdelay $0x3  }
0x92: {  	_ =	strace s17  }
0x93: {  	s2 =	sld [smem:$0x3FFC];
	_ =	sdelay $0x3  }
0x94: {  	_ =	strace s2  }
0x95: {  	s2 =	sld [smem:$0x3FFD];
	_ =	sdelay $0x3  }
0x96: {  	_ =	strace s2  }
0x97: {  	_ =	strace $0x8FFFFFFF  }
0x98: {  	s18 =	sld [smem:$0x3FDB];
	_ =	sdelay $0x1  }
0x99: {  	s19 =	simm.s32 $_scs_section_size  }
0x9a: {  	s4 =	simm.s32 $_size__tile_overlayer_lowered;
	s5 =	simm.s32 $_tile_overlayer_lowered  }
0x9b: {  	s22 =	simm.s32 $0x1BFF;
	s21 =	sshll.u32 s5, $0x1;
	s2 =	sadd.s32 s19, s18  }
0x9c: {  	s6 =	simm.s32 $0x0;
	s20 =	sshll.u32 s4, $0x1;
	s4 =	sadd.s32 s21, s2  }
0x9d: {  	[timem:s6], [sflag:s22] =	dma.local [hbm:s4], s20  }
0x9e: {  	_ =	swait.ge [sflag:s22], s20  }
0x9f: {  	s3 =	ssub.s32 $0x0, s20;
	[sflag:s22] =	ssyncset.done $0x0  }
0xa0: {  	[sflag:s22] =	ssyncadd.s32 s3;
	_ =	sdelay $0x1  }
0xa1: {  	s23 =	simm.s32 $0x1B8B  }
0xa2: {  	_ =	swait.ge [sflag:s23], $0x1  }
0xa3: {  	[sflag:s23] =	ssyncset.done $0x0  }
0xa4: {  	s25 =	simm.s32 $0x1B8E;
	s24 =	sld [smem:$0x3FFE];
	[sflag:s23] =	ssyncadd.s32 $0xFFFFFFFF  }
0xa5: {  	s26 =	simm.s32 $execute0_lowered;
	[smem:$0x3FD2] =	sst s25  }
0xa6: {  	s4 =	sshll.u32 s26, $0x1;
	_ =	strace $0x80000049;
	[dreg:$0x1] =	wrdreg $0xFFFFFFFF  }
0xa7: {  	s28 =	simm.s32 $_size_execute0_lowered;
	s2 =	sadd.s32 s2, s4;
	[dreg:$0x0] =	wrdreg $0x0  }
0xa8: {  	s4 =	sshll.u32 s28, $0x1;
	[dreg:$0x2] =	wrdreg s2  }
0xa9: {  	[dreg:$0x3] =	wrdreg s4  }
0xaa: {  	[dreg:$0x4] =	wrdreg $0xC0  }
0xab: {  	_ =	task [dreg:s6], $0x5FFFF  }
0xac: {  	[dreg:$0x1] =	wrdreg $0xFFFFFFFF  }
0xad: {  	[dreg:$0x0] =	wrdreg $0x60  }
0xae: {  	[dreg:$0x2] =	wrdreg s24  }
0xaf: {  	[dreg:$0x3] =	wrdreg $0x88000  }
0xb0: {  	[dreg:$0x4] =	wrdreg $0x9  }
0xb1: {  	_ =	task.clear_ibuf [dreg:s6], $0x5FFFF;
	_ =	strace $0x90000049  }
0xb2: {  	s29 =	simm.s32 $0x9;
	_ =	strace $0x8000004B  }
0xb3: {  	_ =	swait.ge [sflag:s29], $0x1  }
0xb4: {  	[sflag:s29] =	ssyncadd.s32 $0xFFFFFFFF  }
0xb5: {  	_ =	strace $0x9000004B  }
0xb6: {  	_ =	sfence  }
0xb7: {  	s30 =	sld [smem:$0x0];
	_ =	sdelay $0x2  }
0xb8: {  	s31 =	sshll.u32 s1, $0xD;
	s1 =	sshrl.u32 s1, $0x2  }
0xb9: {  	s3 =	sand.u32 $0x4000, s31;
	s1 =	sadd.s32 s1, s30  }
0xba: {  	s0 =	sor.u32 s3, s0;
	s1 =	sshll.u32 s1, $0x11  }
0xbb: {  	s0 =	sor.u32 s1, s0  }
0xbc: {  	s0 =	sadd.s32 $0x8F2B, s0  }
0xbd: {  	[sflag:s0] =	ssyncadd.remote.s32 $0x1  }
0xbe: {  	_ =	sfence.sel $0xFFFF  }
0xbf: {  	[dreg:$0x0] =	wrdreg $0xFFFFFFFF;
	(pc) =	sbr.abs _section_cstart, $3  }
0xc0: {  	[dreg:$0x1] =	wrdreg $0xFFFFFFFF  }
0xc1: {  	_ =	task.clear_ibuf [dreg:s6], $0x2FFFF;
	_ =	strace $0x9FFFFFFF  }
0xc2: {  	(tm) =	ssettm $0x7FFFFFFF  }
0xc3: {  	_ =	shalt  }
tec
execute0_lowered:
.L_overlay_start_1:
0x0: {  	(tag) =	ssettag $0x1  }
0x1: {  	s0 =	rddreg [dreg:$0x0];
	s1 =	srdreg.scid  }
0x2: {  	s13 =	stileid.u32;
	s2 =	rddreg [dreg:$0x1]  }
0x3: {  	s3 =	simm.s32 $0x0;
	s14 =	simm.s32 $0x400;
	s15 =	simm.s32 $0x80  }
0x4: {  	s24 =	simm.s32 $0x100;
	s16 =	simm.s32 $0x800;
	s25 =	simm.s32 $0x200  }
0x5: {  	s26 =	simm.s32 $0x180;
	s28 =	simm.s32 $0x580;
	s29 =	simm.s32 $0x700  }
0x6: {  	s30 =	simm.s32 $0x680;
	s31 =	simm.s32 $0x780;
	s5 =	smul.u32 $0x14000, s13  }
0x7: {  	s1 =	sand.u32 $0x1, s1;
	[smem:$0x7FF] =	sst s3;
	s10 =	smul.u32 $0x50000, s13  }
0x8: {  	s8 =	sadd.s32 $0x2A200, s0;
	s18 =	sshll.u32 s13, $0x6;
	s21 =	smul.u32 $0xA00, s13  }
0x9: {  	s4 =	smul.u32 $0x140000, s1;
	_ =	strace $0x8000004A;
	[dreg:$0x3] =	wrdreg s24  }
0xa: {  	s7 =	ssub.s32 $0x2, s1;
	s9 =	sshll.u32 s1, $0x4;
	[dreg:$0x4] =	wrdreg s25  }
0xb: {  	s1 =	smul.u32 $0xA000, s1;
	[dreg:$0x5] =	wrdreg s26;
	s24 =	simm.s32 $0x500  }
0xc: {  	s25 =	simm.s32 $0x480;
	s26 =	simm.s32 $0x600;
	s17 =	sshrl.u32 s7, $0x1  }
0xd: {  	s9 =	sor.u32 s13, s9;
	s10 =	sshrl.u32 s10, $0x2;
	s13 =	simm.s32 $0x5  }
0xe: {  	s6 =	sadd.s32 s5, s4;
	s4 =	sadd.s32 $0x2200, s0;
	s5 =	sshrl.u32 s5, $0x3  }
0xf: {  	s9 =	smul.u32 $0xA00, s9;
	s11 =	ssub.s32 s7, s17;
	s12 =	sadd.s32 s10, s2  }
0x10: {  	s7 =	sor.u32 $0x1C05, s18;
	s23 =	sadd.s32 s1, s8;
	s17 =	simm.s32 $0x3  }
0x11: {  	s18 =	simm.s32 $0x4800;
	s1 =	simm.s32 $0x0;
	s6 =	sshrl.u32 s6, $0x3  }
0x12: {  	s5 =	sadd.s32 s4, s5;
	s22 =	smax.u32 s11, $0x1;
	s11 =	sadd.s32 s21, s23  }
0x13: {  	s12 =	sshrl.u32 s12, $0x3;
	s21 =	simm.s32 $0x280;
	[dreg:$0x6] =	wrdreg s5  }
0x14: {  	s23 =	simm.s32 $0x380;
	s19 =	sadd.s32 s8, s9;
	[dreg:$0xa] =	wrdreg s22  }
0x15: {  	s0 =	sadd.s32 s6, s0;
	[dreg:$0x7] =	wrdreg s19;
	s20 =	sadd.s32 $0x80, s19  }
0x16: {  	s22 =	simm.s32 $0x2;
	s0 =	sadd.s32 $0x3E200, s0;
	[dreg:$0x8] =	wrdreg s20  }
0x17: {  	s19 =	simm.s32 $0x4;
	[dreg:$0x9] =	wrdreg s0;
	s20 =	simm.s32 $0x300  }
.LBB2_1:
0x18: {  	s0 =	rddreg [dreg:$0x6]  }
0x19: {  	[spmem:s12], [sflag:s7] =	dma.local [hbm:s0], $0x2800  }
0x1a: {  	_ =	swait.ge [sflag:s13], $0x2800  }
0x1b: {  	[sflag:s13] =	ssyncset.done $0x0  }
0x1c: {  	[sflag:s13] =	ssyncadd.s32 $0xFFFFD800  }
0x1d: {  	[bflag:$0x0] =	sbarrier.arrive $0xFFFF  }
0x1e: {  	s5 =	rddreg [dreg:$0x7]  }
0x1f: {  	[tilespmem:s3], [sflag:$0x5] =	stream.linear.gather [hbm4b:s5+s3], $0x400, $0x38;
	[tilespmem:$0x1C800] =	vst v63  }
0x20: {  	_ =	swait.ge [sflag:s13], $0x400  }
0x21: {  	[sflag:s13] =	ssyncset.done $0x0  }
0x22: {  	p0 =	por $0x1, $0x1;
	s6 =	rddreg [dreg:$0x8];
	[sflag:s13] =	ssyncadd.s32 $0xFFFFFC00  }
0x23: {  	[tilespmem:s14], [sflag:$0x2] =	stream.linear.gather [hbm4b:s6+s3], $0x400, $0x38;
	[tilespmem:$0x1C800] =	vst v63  }
0x24: {  	s0 =	sadd.s32 @!p0 $0x0, s11  }
0x25: {  	[tilespmem:s16], [sflag:$0x3] =	stream.indirect.gather [hbm4b:s4+s15], $0x80, s3, s15, $0xb8;
	[tilespmem:$0x1C800] =	vst v63  }
0x26: {  	s8 =	simm.s32 @!p0 $0x400;
	s0 =	sadd.s32 @!p0 $0x80, s0;
	s5 =	simm.s32 @!p0 $0x0  }
0x27: {  	[tilespmem:s8], [sflag:$0x2] =	stream.linear.gather @!p0 [hbm4b:s0+s5], $0x400, $0x38;
	[tilespmem:$0x1C800] =	vst v63  }
0x28: {  	_ =	swait.ge [sflag:s17], $0x4000  }
0x29: {  	[sflag:s17] =	ssyncset.done $0x0  }
0x2a: {  	s8 =	rddreg [dreg:$0x3];
	[sflag:s17] =	ssyncadd.s32 $0xFFFFC000  }
0x2b: {  	[tilespmem:s18], [sflag:$0x4] =	stream.indirect.gather [hbm4b:s4+s15], $0x80, s8, s15, $0xb8;
	[tilespmem:$0x1C800] =	vst v63  }
0x2c: {  	_ = 	snop  }
0x2d: {  	[spmem:s2] =	stream.indirect.scatter.add.f32 [tilespmem:s16], [sflag:$0x5], $0x80, s15, s15, $0xb8;
	[tilespmem:$0x1C800] =	vst v63  }
0x2e: {  	_ =	swait.ge [sflag:s13], $0x4000  }
0x2f: {  	[sflag:s13] =	ssyncset.done $0x0  }
0x30: {  	[sflag:s13] =	ssyncadd.s32 $0xFFFFC000  }
0x31: {  	_ =	swait.ge [sflag:s19], $0x4000  }
0x32: {  	[sflag:s19] =	ssyncset.done $0x0  }
0x33: {  	s9 =	rddreg [dreg:$0x4];
	[sflag:s19] =	ssyncadd.s32 $0xFFFFC000  }
0x34: {  	[tilespmem:s16], [sflag:$0x3] =	stream.indirect.gather [hbm4b:s4+s15], $0x80, s9, s15, $0xb8;
	[tilespmem:$0x1C800] =	vst v63  }
0x35: {  	s10 =	rddreg [dreg:$0x5]  }
0x36: {  	[spmem:s2] =	stream.indirect.scatter.add.f32 [tilespmem:s18], [sflag:$0x5], $0x80, s10, s15, $0xb8;
	[tilespmem:$0x1C800] =	vst v63  }
0x37: {  	_ =	swait.ge [sflag:s13], $0x4000  }
0x38: {  	[sflag:s13] =	ssyncset.done $0x0  }
0x39: {  	[sflag:s13] =	ssyncadd.s32 $0xFFFFC000  }
0x3a: {  	_ =	swait.ge [sflag:s17], $0x4000  }
0x3b: {  	[sflag:s17] =	ssyncset.done $0x0  }
0x3c: {  	[sflag:s17] =	ssyncadd.s32 $0xFFFFC000  }
0x3d: {  	[tilespmem:s18], [sflag:$0x4] =	stream.indirect.gather [hbm4b:s4+s15], $0x80, s20, s15, $0xb8;
	[tilespmem:$0x1C800] =	vst v63  }
0x3e: {  	_ = 	snop  }
0x3f: {  	[spmem:s2] =	stream.indirect.scatter.add.f32 [tilespmem:s16], [sflag:$0x5], $0x80, s21, s15, $0xb8;
	[tilespmem:$0x1C800] =	vst v63  }
0x40: {  	_ =	swait.ge [sflag:s13], $0x4000  }
0x41: {  	[sflag:s13] =	ssyncset.done $0x0  }
0x42: {  	[sflag:s13] =	ssyncadd.s32 $0xFFFFC000  }
0x43: {  	_ =	swait.ge [sflag:s19], $0x4000  }
0x44: {  	[sflag:s19] =	ssyncset.done $0x0  }
0x45: {  	[sflag:s19] =	ssyncadd.s32 $0xFFFFC000  }
0x46: {  	_ =	swait.ge [sflag:s22], $0x400  }
0x47: {  	[sflag:s22] =	ssyncset.done $0x0  }
0x48: {  	[sflag:s22] =	ssyncadd.s32 $0xFFFFFC00  }
0x49: {  	[tilespmem:s16], [sflag:$0x3] =	stream.indirect.gather [hbm4b:s4+s15], $0x80, s14, s15, $0xb8;
	[tilespmem:$0x1C800] =	vst v63  }
0x4a: {  	_ = 	snop  }
0x4b: {  	[spmem:s2] =	stream.indirect.scatter.add.f32 [tilespmem:s18], [sflag:$0x5], $0x80, s23, s15, $0xb8;
	[tilespmem:$0x1C800] =	vst v63  }
0x4c: {  	_ =	swait.ge [sflag:s13], $0x4000  }
0x4d: {  	[sflag:s13] =	ssyncset.done $0x0  }
0x4e: {  	[sflag:s13] =	ssyncadd.s32 $0xFFFFC000  }
0x4f: {  	p0 =	por $0x0, $0x0;
	_ =	swait.ge [sflag:s17], $0x4000  }
0x50: {  	s0 =	sadd.s32 @!p0 $0x0, s11;
	[sflag:s17] =	ssyncset.done $0x0  }
0x51: {  	s5 =	simm.s32 @!p0 $0x0;
	s0 =	sadd.s32 @!p0 $0x100, s0;
	[sflag:s17] =	ssyncadd.s32 $0xFFFFC000  }
0x52: {  	[tilespmem:s5], [sflag:$0x1] =	stream.linear.gather @!p0 [hbm4b:s0+s5], $0x400, $0x38;
	[tilespmem:$0x1C800] =	vst v63  }
0x53: {  	_ = 	snop  }
0x54: {  	[tilespmem:s18], [sflag:$0x4] =	stream.indirect.gather [hbm4b:s4+s15], $0x80, s24, s15, $0xb8;
	[tilespmem:$0x1C800] =	vst v63  }
0x55: {  	_ = 	snop  }
0x56: {  	[spmem:s2] =	stream.indirect.scatter.add.f32 [tilespmem:s16], [sflag:$0x5], $0x80, s25, s15, $0xb8;
	[tilespmem:$0x1C800] =	vst v63  }
0x57: {  	_ =	swait.ge [sflag:s13], $0x4000  }
0x58: {  	[sflag:s13] =	ssyncset.done $0x0  }
0x59: {  	[sflag:s13] =	ssyncadd.s32 $0xFFFFC000  }
0x5a: {  	_ =	swait.ge [sflag:s19], $0x4000  }
0x5b: {  	[sflag:s19] =	ssyncset.done $0x0  }
0x5c: {  	[sflag:s19] =	ssyncadd.s32 $0xFFFFC000  }
0x5d: {  	[tilespmem:s16], [sflag:$0x3] =	stream.indirect.gather [hbm4b:s4+s15], $0x80, s26, s15, $0xb8;
	[tilespmem:$0x1C800] =	vst v63  }
0x5e: {  	_ = 	snop  }
0x5f: {  	[spmem:s2] =	stream.indirect.scatter.add.f32 [tilespmem:s18], [sflag:$0x5], $0x80, s28, s15, $0xb8;
	[tilespmem:$0x1C800] =	vst v63  }
0x60: {  	_ =	swait.ge [sflag:s13], $0x4000  }
0x61: {  	[sflag:s13] =	ssyncset.done $0x0  }
0x62: {  	[sflag:s13] =	ssyncadd.s32 $0xFFFFC000  }
0x63: {  	_ =	swait.ge [sflag:s17], $0x4000  }
0x64: {  	[sflag:s17] =	ssyncset.done $0x0  }
0x65: {  	[sflag:s17] =	ssyncadd.s32 $0xFFFFC000  }
0x66: {  	[tilespmem:s18], [sflag:$0x4] =	stream.indirect.gather [hbm4b:s4+s15], $0x80, s29, s15, $0xb8;
	[tilespmem:$0x1C800] =	vst v63  }
0x67: {  	_ = 	snop  }
0x68: {  	[spmem:s2] =	stream.indirect.scatter.add.f32 [tilespmem:s16], [sflag:$0x5], $0x80, s30, s15, $0xb8;
	[tilespmem:$0x1C800] =	vst v63  }
0x69: {  	_ =	swait.ge [sflag:s13], $0x4000  }
0x6a: {  	[sflag:s13] =	ssyncset.done $0x0  }
0x6b: {  	[sflag:s13] =	ssyncadd.s32 $0xFFFFC000  }
0x6c: {  	_ =	swait.ge [sflag:s19], $0x4000  }
0x6d: {  	[sflag:s19] =	ssyncset.done $0x0  }
0x6e: {  	s0 =	simm.s32 @!p0 $0x1;
	[sflag:s19] =	ssyncadd.s32 $0xFFFFC000  }
0x6f: {  	_ =	swait.ge @!p0 [sflag:s0], $0x400  }
0x70: {  	[sflag:s0] =	ssyncset.done @!p0 $0x0  }
0x71: {  	s8 =	simm.s32 @!p0 $0x800;
	[sflag:s0] =	ssyncadd.s32 @!p0 $0xFFFFFC00;
	s0 =	simm.s32 @!p0 $0x80  }
0x72: {  	[tilespmem:s8], [sflag:$0x3] =	stream.indirect.gather @!p0 [hbm4b:s4+s0], $0x80, s5, s0, $0xb8;
	[tilespmem:$0x1C800] =	vst v63  }
0x73: {  	_ = 	snop  }
0x74: {  	[spmem:s2] =	stream.indirect.scatter.add.f32 [tilespmem:s18], [sflag:$0x5], $0x80, s31, s15, $0xb8;
	[tilespmem:$0x1C800] =	vst v63  }
0x75: {  	p1 =	por $0x0, $0x0;
	_ =	swait.ge [sflag:s13], $0x4000  }
0x76: {  	s0 =	simm.s32 $0x100;
	s5 =	simm.s32 $0x200;
	[sflag:s13] =	ssyncset.done $0x0  }
.LBB2_2:
0x77: {  	s9 =	sadd.s32 @!p1 s0, s11;
	[sflag:s13] =	ssyncadd.s32 $0xFFFFC000  }
0x78: {  	s10 =	simm.s32 @!p1 $0x0;
	s6 =	simm.s32 @!p1 $0x400;
	s9 =	sadd.s32 @!p1 $0x80, s9  }
0x79: {  	[tilespmem:s6], [sflag:$0x2] =	stream.linear.gather @!p1 [hbm4b:s9+s10], $0x400, $0x38;
	[tilespmem:$0x1C800] =	vst v63  }
0x7a: {  	_ =	swait.ge [sflag:s17], $0x4000  }
0x7b: {  	[sflag:s17] =	ssyncset.done $0x0  }
0x7c: {  	s10 =	rddreg [dreg:$0x3];
	[sflag:s17] =	ssyncadd.s32 $0xFFFFC000  }
0x7d: {  	[tilespmem:s18], [sflag:$0x4] =	stream.indirect.gather [hbm4b:s4+s15], $0x80, s10, s15, $0xb8;
	[tilespmem:$0x1C800] =	vst v63  }
0x7e: {  	_ = 	snop  }
0x7f: {  	[spmem:s2] =	stream.indirect.scatter.add.f32 [tilespmem:s16], [sflag:$0x5], $0x80, s15, s15, $0xb8;
	[tilespmem:$0x1C800] =	vst v63  }
0x80: {  	_ =	swait.ge [sflag:s13], $0x4000  }
0x81: {  	[sflag:s13] =	ssyncset.done $0x0  }
0x82: {  	[sflag:s13] =	ssyncadd.s32 $0xFFFFC000  }
0x83: {  	_ =	swait.ge [sflag:s19], $0x4000  }
0x84: {  	[sflag:s19] =	ssyncset.done $0x0  }
0x85: {  	s9 =	rddreg [dreg:$0x4];
	[sflag:s19] =	ssyncadd.s32 $0xFFFFC000  }
0x86: {  	[tilespmem:s16], [sflag:$0x3] =	stream.indirect.gather [hbm4b:s4+s15], $0x80, s9, s15, $0xb8;
	[tilespmem:$0x1C800] =	vst v63  }
0x87: {  	s10 =	rddreg [dreg:$0x5]  }
0x88: {  	[spmem:s2] =	stream.indirect.scatter.add.f32 [tilespmem:s18], [sflag:$0x5], $0x80, s10, s15, $0xb8;
	[tilespmem:$0x1C800] =	vst v63  }
0x89: {  	_ =	swait.ge [sflag:s13], $0x4000  }
0x8a: {  	[sflag:s13] =	ssyncset.done $0x0  }
0x8b: {  	[sflag:s13] =	ssyncadd.s32 $0xFFFFC000  }
0x8c: {  	_ =	swait.ge [sflag:s17], $0x4000  }
0x8d: {  	[sflag:s17] =	ssyncset.done $0x0  }
0x8e: {  	[sflag:s17] =	ssyncadd.s32 $0xFFFFC000  }
0x8f: {  	[tilespmem:s18], [sflag:$0x4] =	stream.indirect.gather [hbm4b:s4+s15], $0x80, s20, s15, $0xb8;
	[tilespmem:$0x1C800] =	vst v63  }
0x90: {  	_ = 	snop  }
0x91: {  	[spmem:s2] =	stream.indirect.scatter.add.f32 [tilespmem:s16], [sflag:$0x5], $0x80, s21, s15, $0xb8;
	[tilespmem:$0x1C800] =	vst v63  }
0x92: {  	_ =	swait.ge [sflag:s13], $0x4000  }
0x93: {  	[sflag:s13] =	ssyncset.done $0x0  }
0x94: {  	[sflag:s13] =	ssyncadd.s32 $0xFFFFC000  }
0x95: {  	_ =	swait.ge [sflag:s19], $0x4000  }
0x96: {  	[sflag:s19] =	ssyncset.done $0x0  }
0x97: {  	[sflag:s19] =	ssyncadd.s32 $0xFFFFC000  }
0x98: {  	_ =	swait.ge [sflag:s22], $0x400  }
0x99: {  	[sflag:s22] =	ssyncset.done $0x0  }
0x9a: {  	[sflag:s22] =	ssyncadd.s32 $0xFFFFFC00  }
0x9b: {  	[tilespmem:s16], [sflag:$0x3] =	stream.indirect.gather [hbm4b:s4+s15], $0x80, s14, s15, $0xb8;
	[tilespmem:$0x1C800] =	vst v63  }
0x9c: {  	_ = 	snop  }
0x9d: {  	[spmem:s2] =	stream.indirect.scatter.add.f32 [tilespmem:s18], [sflag:$0x5], $0x80, s23, s15, $0xb8;
	[tilespmem:$0x1C800] =	vst v63  }
0x9e: {  	_ =	swait.ge [sflag:s13], $0x4000  }
0x9f: {  	[sflag:s13] =	ssyncset.done $0x0  }
0xa0: {  	[sflag:s13] =	ssyncadd.s32 $0xFFFFC000  }
0xa1: {  	s8 =	smov.u32 s5;
	p1 =	seq.s32 s0, $0x900;
	_ =	swait.ge [sflag:s17], $0x4000  }
0xa2: {  	s6 =	sadd.s32 @!p1 s0, s11;
	s0 =	smov.u32 s8;
	[sflag:s17] =	ssyncset.done $0x0  }
0xa3: {  	s8 =	simm.s32 @!p1 $0x0;
	s6 =	sadd.s32 @!p1 $0x100, s6;
	[sflag:s17] =	ssyncadd.s32 $0xFFFFC000  }
0xa4: {  	[tilespmem:s8], [sflag:$0x1] =	stream.linear.gather @!p1 [hbm4b:s6+s8], $0x400, $0x38;
	[tilespmem:$0x1C800] =	vst v63  }
0xa5: {  	_ = 	snop  }
0xa6: {  	[tilespmem:s18], [sflag:$0x4] =	stream.indirect.gather [hbm4b:s4+s15], $0x80, s24, s15, $0xb8;
	[tilespmem:$0x1C800] =	vst v63  }
0xa7: {  	_ = 	snop  }
0xa8: {  	[spmem:s2] =	stream.indirect.scatter.add.f32 [tilespmem:s16], [sflag:$0x5], $0x80, s25, s15, $0xb8;
	[tilespmem:$0x1C800] =	vst v63  }
0xa9: {  	_ =	swait.ge [sflag:s13], $0x4000  }
0xaa: {  	[sflag:s13] =	ssyncset.done $0x0  }
0xab: {  	[sflag:s13] =	ssyncadd.s32 $0xFFFFC000  }
0xac: {  	_ =	swait.ge [sflag:s19], $0x4000  }
0xad: {  	[sflag:s19] =	ssyncset.done $0x0  }
0xae: {  	[sflag:s19] =	ssyncadd.s32 $0xFFFFC000  }
0xaf: {  	[tilespmem:s16], [sflag:$0x3] =	stream.indirect.gather [hbm4b:s4+s15], $0x80, s26, s15, $0xb8;
	[tilespmem:$0x1C800] =	vst v63  }
0xb0: {  	_ = 	snop  }
0xb1: {  	[spmem:s2] =	stream.indirect.scatter.add.f32 [tilespmem:s18], [sflag:$0x5], $0x80, s28, s15, $0xb8;
	[tilespmem:$0x1C800] =	vst v63  }
0xb2: {  	_ =	swait.ge [sflag:s13], $0x4000  }
0xb3: {  	[sflag:s13] =	ssyncset.done $0x0  }
0xb4: {  	[sflag:s13] =	ssyncadd.s32 $0xFFFFC000  }
0xb5: {  	_ =	swait.ge [sflag:s17], $0x4000  }
0xb6: {  	[sflag:s17] =	ssyncset.done $0x0  }
0xb7: {  	[sflag:s17] =	ssyncadd.s32 $0xFFFFC000  }
0xb8: {  	[tilespmem:s18], [sflag:$0x4] =	stream.indirect.gather [hbm4b:s4+s15], $0x80, s29, s15, $0xb8;
	[tilespmem:$0x1C800] =	vst v63  }
0xb9: {  	_ = 	snop  }
0xba: {  	[spmem:s2] =	stream.indirect.scatter.add.f32 [tilespmem:s16], [sflag:$0x5], $0x80, s30, s15, $0xb8;
	[tilespmem:$0x1C800] =	vst v63  }
0xbb: {  	_ =	swait.ge [sflag:s13], $0x4000  }
0xbc: {  	[sflag:s13] =	ssyncset.done $0x0  }
0xbd: {  	[sflag:s13] =	ssyncadd.s32 $0xFFFFC000  }
0xbe: {  	_ =	swait.ge [sflag:s19], $0x4000  }
0xbf: {  	[sflag:s19] =	ssyncset.done $0x0  }
0xc0: {  	s6 =	simm.s32 @!p1 $0x1;
	[sflag:s19] =	ssyncadd.s32 $0xFFFFC000  }
0xc1: {  	s5 =	sadd.s32 $0x100, s5;
	_ =	swait.ge @!p1 [sflag:s6], $0x400  }
0xc2: {  	p0 =	sne.s32 s5, $0xA00;
	[sflag:s6] =	ssyncset.done @!p1 $0x0  }
0xc3: {  	s9 =	simm.s32 @!p1 $0x800;
	[sflag:s6] =	ssyncadd.s32 @!p1 $0xFFFFFC00;
	s6 =	simm.s32 @!p1 $0x80  }
0xc4: {  	[tilespmem:s9], [sflag:$0x3] =	stream.indirect.gather @!p1 [hbm4b:s4+s6], $0x80, s8, s6, $0xb8;
	[tilespmem:$0x1C800] =	vst v63  }
.Ltmp0:
0xc5: {  	_ = 	snop;
	(pc) =	sbr.rel @p0 .LBB2_2-.Ltmp0, $4  }
0xc6: {  	_ = 	snop  }
0xc7: {  	[spmem:s2] =	stream.indirect.scatter.add.f32 [tilespmem:s18], [sflag:$0x5], $0x80, s31, s15, $0xb8;
	[tilespmem:$0x1C800] =	vst v63  }
0xc8: {  	_ =	swait.ge [sflag:s13], $0x4000  }
0xc9: {  	p1 =	seq.s32 s0, $0x0;
	[sflag:s13] =	ssyncset.done $0x0  }
0xca: {  	s5 =	sadd.s32 @!p1 s0, s11;
	[sflag:s13] =	ssyncadd.s32 $0xFFFFC000  }
0xcb: {  	s6 =	simm.s32 @!p1 $0x0;
	s8 =	simm.s32 @!p1 $0x400;
	s5 =	sadd.s32 @!p1 $0x80, s5  }
0xcc: {  	[tilespmem:s8], [sflag:$0x2] =	stream.linear.gather @!p1 [hbm4b:s5+s6], $0x400, $0x38;
	[tilespmem:$0x1C800] =	vst v63  }
0xcd: {  	_ =	swait.ge [sflag:s17], $0x4000  }
0xce: {  	[sflag:s17] =	ssyncset.done $0x0  }
0xcf: {  	s10 =	rddreg [dreg:$0x3];
	[sflag:s17] =	ssyncadd.s32 $0xFFFFC000  }
0xd0: {  	[tilespmem:s18], [sflag:$0x4] =	stream.indirect.gather [hbm4b:s4+s15], $0x80, s10, s15, $0xb8;
	[tilespmem:$0x1C800] =	vst v63  }
0xd1: {  	_ = 	snop  }
0xd2: {  	[spmem:s2] =	stream.indirect.scatter.add.f32 [tilespmem:s16], [sflag:$0x5], $0x80, s15, s15, $0xb8;
	[tilespmem:$0x1C800] =	vst v63  }
0xd3: {  	_ =	swait.ge [sflag:s13], $0x4000  }
0xd4: {  	[sflag:s13] =	ssyncset.done $0x0  }
0xd5: {  	[sflag:s13] =	ssyncadd.s32 $0xFFFFC000  }
0xd6: {  	_ =	swait.ge [sflag:s19], $0x4000  }
0xd7: {  	[sflag:s19] =	ssyncset.done $0x0  }
0xd8: {  	s6 =	rddreg [dreg:$0x4];
	[sflag:s19] =	ssyncadd.s32 $0xFFFFC000  }
0xd9: {  	[tilespmem:s16], [sflag:$0x3] =	stream.indirect.gather [hbm4b:s4+s15], $0x80, s6, s15, $0xb8;
	[tilespmem:$0x1C800] =	vst v63  }
0xda: {  	s8 =	rddreg [dreg:$0x5]  }
0xdb: {  	[spmem:s2] =	stream.indirect.scatter.add.f32 [tilespmem:s18], [sflag:$0x5], $0x80, s8, s15, $0xb8;
	[tilespmem:$0x1C800] =	vst v63  }
0xdc: {  	_ =	swait.ge [sflag:s13], $0x4000  }
0xdd: {  	[sflag:s13] =	ssyncset.done $0x0  }
0xde: {  	[sflag:s13] =	ssyncadd.s32 $0xFFFFC000  }
0xdf: {  	_ =	swait.ge [sflag:s17], $0x4000  }
0xe0: {  	[sflag:s17] =	ssyncset.done $0x0  }
0xe1: {  	[sflag:s17] =	ssyncadd.s32 $0xFFFFC000  }
0xe2: {  	[tilespmem:s18], [sflag:$0x4] =	stream.indirect.gather [hbm4b:s4+s15], $0x80, s20, s15, $0xb8;
	[tilespmem:$0x1C800] =	vst v63  }
0xe3: {  	_ = 	snop  }
0xe4: {  	[spmem:s2] =	stream.indirect.scatter.add.f32 [tilespmem:s16], [sflag:$0x5], $0x80, s21, s15, $0xb8;
	[tilespmem:$0x1C800] =	vst v63  }
0xe5: {  	_ =	swait.ge [sflag:s13], $0x4000  }
0xe6: {  	[sflag:s13] =	ssyncset.done $0x0  }
0xe7: {  	[sflag:s13] =	ssyncadd.s32 $0xFFFFC000  }
0xe8: {  	_ =	swait.ge [sflag:s19], $0x4000  }
0xe9: {  	[sflag:s19] =	ssyncset.done $0x0  }
0xea: {  	[sflag:s19] =	ssyncadd.s32 $0xFFFFC000  }
0xeb: {  	_ =	swait.ge [sflag:s22], $0x400  }
0xec: {  	[sflag:s22] =	ssyncset.done $0x0  }
0xed: {  	[sflag:s22] =	ssyncadd.s32 $0xFFFFFC00  }
0xee: {  	[tilespmem:s16], [sflag:$0x3] =	stream.indirect.gather [hbm4b:s4+s15], $0x80, s14, s15, $0xb8;
	[tilespmem:$0x1C800] =	vst v63  }
0xef: {  	_ = 	snop  }
0xf0: {  	[spmem:s2] =	stream.indirect.scatter.add.f32 [tilespmem:s18], [sflag:$0x5], $0x80, s23, s15, $0xb8;
	[tilespmem:$0x1C800] =	vst v63  }
0xf1: {  	_ =	swait.ge [sflag:s13], $0x4000  }
0xf2: {  	[sflag:s13] =	ssyncset.done $0x0  }
0xf3: {  	[sflag:s13] =	ssyncadd.s32 $0xFFFFC000  }
0xf4: {  	p0 =	seq.s32 s0, $0x900;
	_ =	swait.ge [sflag:s17], $0x4000  }
0xf5: {  	s0 =	sadd.s32 @!p0 s0, s11;
	[sflag:s17] =	ssyncset.done $0x0  }
0xf6: {  	s0 =	sadd.s32 @!p0 $0x100, s0;
	s5 =	simm.s32 @!p0 $0x0;
	[sflag:s17] =	ssyncadd.s32 $0xFFFFC000  }
0xf7: {  	[tilespmem:s5], [sflag:$0x1] =	stream.linear.gather @!p0 [hbm4b:s0+s5], $0x400, $0x38;
	[tilespmem:$0x1C800] =	vst v63  }
0xf8: {  	_ = 	snop  }
0xf9: {  	[tilespmem:s18], [sflag:$0x4] =	stream.indirect.gather [hbm4b:s4+s15], $0x80, s24, s15, $0xb8;
	[tilespmem:$0x1C800] =	vst v63  }
0xfa: {  	_ = 	snop  }
0xfb: {  	[spmem:s2] =	stream.indirect.scatter.add.f32 [tilespmem:s16], [sflag:$0x5], $0x80, s25, s15, $0xb8;
	[tilespmem:$0x1C800] =	vst v63  }
0xfc: {  	_ =	swait.ge [sflag:s13], $0x4000  }
0xfd: {  	[sflag:s13] =	ssyncset.done $0x0  }
0xfe: {  	[sflag:s13] =	ssyncadd.s32 $0xFFFFC000  }
0xff: {  	_ =	swait.ge [sflag:s19], $0x4000  }
0x100: {  	[sflag:s19] =	ssyncset.done $0x0  }
0x101: {  	[sflag:s19] =	ssyncadd.s32 $0xFFFFC000  }
0x102: {  	[tilespmem:s16], [sflag:$0x3] =	stream.indirect.gather [hbm4b:s4+s15], $0x80, s26, s15, $0xb8;
	[tilespmem:$0x1C800] =	vst v63  }
0x103: {  	_ = 	snop  }
0x104: {  	[spmem:s2] =	stream.indirect.scatter.add.f32 [tilespmem:s18], [sflag:$0x5], $0x80, s28, s15, $0xb8;
	[tilespmem:$0x1C800] =	vst v63  }
0x105: {  	_ =	swait.ge [sflag:s13], $0x4000  }
0x106: {  	[sflag:s13] =	ssyncset.done $0x0  }
0x107: {  	[sflag:s13] =	ssyncadd.s32 $0xFFFFC000  }
0x108: {  	_ =	swait.ge [sflag:s17], $0x4000  }
0x109: {  	[sflag:s17] =	ssyncset.done $0x0  }
0x10a: {  	[sflag:s17] =	ssyncadd.s32 $0xFFFFC000  }
0x10b: {  	[tilespmem:s18], [sflag:$0x4] =	stream.indirect.gather [hbm4b:s4+s15], $0x80, s29, s15, $0xb8;
	[tilespmem:$0x1C800] =	vst v63  }
0x10c: {  	_ = 	snop  }
0x10d: {  	[spmem:s2] =	stream.indirect.scatter.add.f32 [tilespmem:s16], [sflag:$0x5], $0x80, s30, s15, $0xb8;
	[tilespmem:$0x1C800] =	vst v63  }
0x10e: {  	_ =	swait.ge [sflag:s13], $0x4000  }
0x10f: {  	[sflag:s13] =	ssyncset.done $0x0  }
0x110: {  	[sflag:s13] =	ssyncadd.s32 $0xFFFFC000  }
0x111: {  	_ =	swait.ge [sflag:s19], $0x4000  }
0x112: {  	[sflag:s19] =	ssyncset.done $0x0  }
0x113: {  	s0 =	simm.s32 @!p0 $0x1;
	[sflag:s19] =	ssyncadd.s32 $0xFFFFC000  }
0x114: {  	_ =	swait.ge @!p0 [sflag:s0], $0x400  }
0x115: {  	[sflag:s0] =	ssyncset.done @!p0 $0x0  }
0x116: {  	s6 =	simm.s32 @!p0 $0x800;
	[sflag:s0] =	ssyncadd.s32 @!p0 $0xFFFFFC00;
	s0 =	simm.s32 @!p0 $0x80  }
0x117: {  	[tilespmem:s6], [sflag:$0x3] =	stream.indirect.gather @!p0 [hbm4b:s4+s0], $0x80, s5, s0, $0xb8;
	[tilespmem:$0x1C800] =	vst v63  }
0x118: {  	_ = 	snop  }
0x119: {  	[spmem:s2] =	stream.indirect.scatter.add.f32 [tilespmem:s18], [sflag:$0x5], $0x80, s31, s15, $0xb8;
	[tilespmem:$0x1C800] =	vst v63  }
0x11a: {  	_ =	swait.ge [sflag:s13], $0x4000  }
0x11b: {  	[sflag:s13] =	ssyncset.done $0x0  }
0x11c: {  	[sflag:s13] =	ssyncadd.s32 $0xFFFFC000  }
0x11d: {  	[bflag:$0x0] =	sbarrier.arrive $0xFFFF  }
0x11e: {  	s9 =	rddreg [dreg:$0x9]  }
0x11f: {  	[hbm:s9], [sflag:s7] =	dma.local [spmem:s12], $0x2800  }
0x120: {  	_ =	swait.ge [sflag:s13], $0x2800  }
0x121: {  	s1 =	sadd.s32 $0x1, s1;
	s10 =	rddreg [dreg:$0xa]  }
0x122: {  	p0 =	sne.s32 s1, s10  }
.Ltmp1:
0x123: {  	_ = 	snop;
	(pc) =	sbr.rel @p0 .LBB2_1-.Ltmp1, $3  }
0x124: {  	_ =	sdelay $0x1  }
0x125: {  	[sflag:s13] =	ssyncset.done $0x0  }
0x126: {  	[sflag:s13] =	ssyncadd.s32 $0xFFFFD800  }
0x127: {  	_ =	sfence.sel $0x180000  }
0x128: {  	[bflag:$0x0] =	sbarrier.arrive $0xFFFF  }
0x129: {  	_ =	strace $0x9000004A  }
0x12a: {  	s0 =	stileid.u32;
	[bflag:$0x2] =	sbarrier.arrive $0xFFFF  }
0x12b: {  	p0 =	sne.s32 s0, $0x0;
	s0 =	rddreg [dreg:$0x2]  }
0x12c: {  	s0 =	sadd.s32 @!p0 $0x100000, s0  }
0x12d: {  	[sflag:s0] =	ssyncadd.tile.s32 @!p0 $0x1;
	_ =	shalt  }
.Lfunc_end2:
_tile_overlayer_lowered:
.L_overlay_start_2:
0x12e: {  	(tag) =	ssettag $0x2  }
0x12f: {  	s0 =	rddreg [dreg:$0x0];
	s2 =	stileid.u32  }
0x130: {  	s1 =	rddreg [dreg:$0x1];
	p0 =	sne.s32 s2, $0x0  }
0x131: {  	s3 =	rddreg [dreg:$0x2];
	[bflag:$0x3] =	sbarrier.arrive $0xFFFF;
	s2 =	simm.s32 @!p0 $0x1C05  }
0x132: {  	[timem:s3], [sflag:s2] =	dma.local @!p0 [hbm:s0], s1  }
0x133: {  	s0 =	simm.s32 @!p0 $0x5  }
0x134: {  	_ =	swait.ge @!p0 [sflag:s0], s1  }
0x135: {  	s1 =	ssub.s32 @!p0 $0x0, s1;
	[sflag:s0] =	ssyncset.done @!p0 $0x0  }
0x136: {  	[sflag:s0] =	ssyncadd.s32 @!p0 s1  }
0x137: {  	[bflag:$0x3] =	sbarrier.arrive $0xFFFF  }
0x138: {  	_ =	shalt  }

</sc_bundles>
